<compile_context>
chip_gen: v7x
topology: tpu7x:2x2x1
jax: 0.10.2.dev20260603
libtpu: 0.0.44.dev20260713+nightly
codegen_flags: <defaults>
</compile_context>

<pallas_src>
import functools

import jax
import jax.numpy as jnp
from jax import lax
from jax.experimental import pallas as pl
from jax.experimental.pallas import tpu as pltpu
from jax.experimental.pallas import tpu_sc as plsc

NUM_CLS = 1000
B = 16384
LANES = 16
NUM_CORES = 2
NUM_SUBCORES = 16
NW = NUM_CORES * NUM_SUBCORES
COLS_PER_W = B // NW
CLS_CHUNK = 80
NBUF = 3
COL_GROUPS = COLS_PER_W // LANES

_BANDS = [(k * CLS_CHUNK, CLS_CHUNK) for k in range(NUM_CLS // CLS_CHUNK)]
_BANDS.append((NUM_CLS - NUM_CLS % CLS_CHUNK, NUM_CLS % CLS_CHUNK))


def _sc_body(x_hbm, out_hbm, idx_v, buf0, buf1, buf2, sem0, sem1, sem2):
    cid = lax.axis_index("c")
    sid = lax.axis_index("s")
    wid = sid * NUM_CORES + cid
    cbase = wid * COLS_PER_W

    pltpu.sync_copy(x_hbm.at[pl.ds(cbase, COLS_PER_W)], idx_v)

    zeros16 = jnp.zeros((LANES,), jnp.float32)
    ones16 = jnp.ones((LANES,), jnp.float32)
    lane = lax.iota(jnp.int32, LANES)

    def zero_buf(buf):
        def zero_row(r, _):
            for g in range(COL_GROUPS):
                buf[r, pl.ds(g * LANES, LANES)] = zeros16
            return ()

        lax.fori_loop(0, CLS_CHUNK, zero_row, ())

    def scan_band(lo, hi, buf):
        def grp(g, _):
            xv = idx_v[pl.ds(g * LANES, LANES)]
            m = (xv >= lo) & (xv < hi)
            rows = jnp.where(m, xv - lo, 0)
            cols = lane + g * LANES
            plsc.store_scatter(buf, [rows, cols], ones16, mask=m)
            return ()

        lax.fori_loop(0, COL_GROUPS, grp, ())

    def unset_set_band(plo, phi, lo, hi, buf):
        def grp(g, _):
            xv = idx_v[pl.ds(g * LANES, LANES)]
            cols = lane + g * LANES
            m0 = (xv >= plo) & (xv < phi)
            rows0 = jnp.where(m0, xv - plo, 0)
            plsc.store_scatter(buf, [rows0, cols], zeros16, mask=m0)
            m1 = (xv >= lo) & (xv < hi)
            rows1 = jnp.where(m1, xv - lo, 0)
            plsc.store_scatter(buf, [rows1, cols], ones16, mask=m1)
            return ()

        lax.fori_loop(0, COL_GROUPS, grp, ())

    bufs = (buf0, buf1, buf2)
    sems = (sem0, sem1, sem2)
    pending = [None, None, None]
    for k, (lo, rows) in enumerate(_BANDS):
        b = k % NBUF
        buf = bufs[b]
        if k < NBUF:
            zero_buf(buf)
            scan_band(lo, lo + rows, buf)
        else:
            pending[b].wait()
            plo, prows = _BANDS[k - NBUF]
            unset_set_band(plo, plo + prows, lo, lo + rows, buf)
        cp = pltpu.make_async_copy(
            buf.at[pl.ds(0, rows)],
            out_hbm.at[pl.ds(lo, rows), pl.ds(cbase, COLS_PER_W)],
            sems[b],
        )
        cp.start()
        pending[b] = cp
    for cp in pending:
        cp.wait()


_mesh = plsc.VectorSubcoreMesh(core_axis_name="c", subcore_axis_name="s")

_sc_call = functools.partial(
    pl.kernel,
    out_type=jax.ShapeDtypeStruct((NUM_CLS, B), jnp.float32),
    mesh=_mesh,
    compiler_params=pltpu.CompilerParams(
        use_tc_tiling_on_sc=True, needs_layout_passes=False
    ),
    scratch_types=[
        pltpu.VMEM((COLS_PER_W,), jnp.int32),
        pltpu.VMEM((CLS_CHUNK, COLS_PER_W), jnp.float32),
        pltpu.VMEM((CLS_CHUNK, COLS_PER_W), jnp.float32),
        pltpu.VMEM((CLS_CHUNK, COLS_PER_W), jnp.float32),
        pltpu.SemaphoreType.DMA,
        pltpu.SemaphoreType.DMA,
        pltpu.SemaphoreType.DMA,
    ],
)(_sc_body)


def kernel(x):
    return _sc_call(x).T

# --- scband reference (transcript-rebuilt; emitter-appended) ---
"""Pipeline reference for scband-to-one-hot-10411000725588 (READ-ONLY COPY).

The authoritative reference and input builder live on the scoring server;
editing this copy changes nothing except your own understanding.
"""

import jax, jax.numpy as jnp
import numpy as np

NUM_CLASSES = 1000

def setup_inputs(seed: int = 0) -> dict:
    key = jax.random.key(seed)
    x = jax.random.randint(key, (16384,), 0, NUM_CLASSES, dtype=jnp.int64 if jax.config.read('jax_enable_x64') else jnp.int32)
    return {"x": x}

def reference(x) -> jnp.ndarray:
    # Faithful translation of To_one_hot.forward for the 1-D tensor case:
    #   x = x.unsqueeze(1); one_hot = zeros((B, num_classes)); one_hot.scatter_(1, x, 1)
    # scatter-overwrite along axis 1 with value 1 at column index x[i].
    B = x.shape[0]
    one_hot = jnp.zeros((B, NUM_CLASSES), dtype=jnp.float32)
    one_hot = one_hot.at[jnp.arange(B), x].set(1.0)
    return one_hot

if __name__ == "__main__":
    import jax
    _d = setup_inputs()
    print(jax.jit(kernel)(*tuple(_d.values())))

</pallas_src>

<mosaic_0001>
#map = affine_map<(d0, d1) -> (0)>
#map1 = affine_map<(d0, d1) -> (0, 0)>
module attributes {stable_mosaic.version = 14 : i64} {
  func.func @_sc_body(%arg0: i32, %arg1: i32, %arg2: memref<16384xi32, #tpu.memory_space<hbm>>, %arg3: memref<1000x16384xf32, #tpu.memory_space<hbm>>, %arg4: memref<512xi32, #tpu.memory_space<vmem>>, %arg5: memref<80x512xf32, #tpu.memory_space<vmem>>, %arg6: memref<80x512xf32, #tpu.memory_space<vmem>>, %arg7: memref<80x512xf32, #tpu.memory_space<vmem>>, %arg8: memref<!tpu.dma_semaphore, #tpu.memory_space<semaphore_mem>>, %arg9: memref<!tpu.dma_semaphore, #tpu.memory_space<semaphore_mem>>, %arg10: memref<!tpu.dma_semaphore, #tpu.memory_space<semaphore_mem>>) attributes {dimension_semantics = [#tpu.dimension_semantics<core_parallel>, #tpu.dimension_semantics<subcore_parallel>], iteration_bounds = array<i64: 2, 16>, scalar_prefetch = 0 : i64, scratch_operands = 7 : i64, tpu.core_type = #tpu.core_type<sc_vector_subcore>, window_params = [{transform_indices = #map}, {transform_indices = #map1}]} {
    %mul3A = arith.constant 2 : i32
    %mul3A_0 = arith.muli %arg1, %mul3A : i32
    %add3A = arith.addi %mul3A_0, %arg0 : i32
    %mul3A_1 = arith.constant 512 : i32
    %mul3A_2 = arith.muli %add3A, %mul3A_1 : i32
    "tpu.region"() ({
      %run_scoped3A = tpu.sem_alloc : memref<!tpu.dma_semaphore, #tpu.memory_space<semaphore_mem>>
      %dma_start3A_343 = tpu.memref_slice %arg2[%mul3A_2] : memref<16384xi32, #tpu.memory_space<hbm>> -> memref<512xi32, #tpu.memory_space<hbm>>
      %dma_start3A_344 = tpu.memref_slice %arg2[%mul3A_2] : memref<16384xi32, #tpu.memory_space<hbm>> -> memref<512xi32, #tpu.memory_space<hbm>>
      tpu.enqueue_dma source(%dma_start3A_344 : memref<512xi32, #tpu.memory_space<hbm>>) target(%arg4 : memref<512xi32, #tpu.memory_space<vmem>>) target_semaphore(%run_scoped3A : memref<!tpu.dma_semaphore, #tpu.memory_space<semaphore_mem>>)
      %dma_wait3A_345 = tpu.memref_slice %arg2[%mul3A_2] : memref<16384xi32, #tpu.memory_space<hbm>> -> memref<512xi32, #tpu.memory_space<hbm>>
      %dma_wait3A_346 = tpu.memref_slice %arg2[%mul3A_2] : memref<16384xi32, #tpu.memory_space<hbm>> -> memref<512xi32, #tpu.memory_space<hbm>>
      tpu.wait_dma2 semaphore(%run_scoped3A : memref<!tpu.dma_semaphore, #tpu.memory_space<semaphore_mem>>) src(%dma_wait3A_346 : memref<512xi32, #tpu.memory_space<hbm>>) dst(%arg4 : memref<512xi32, #tpu.memory_space<vmem>>)
      tpu.yield
    }) : () -> ()
    %broadcast_in_dim3A = arith.constant 0.000000e+00 : f32
    %broadcast_in_dim3A_3 = vector.broadcast %broadcast_in_dim3A : f32 to vector<16xf32>
    %broadcast_in_dim3A_4 = arith.constant 1.000000e+00 : f32
    %broadcast_in_dim3A_5 = vector.broadcast %broadcast_in_dim3A_4 : f32 to vector<16xf32>
    %iota3A = tpu.iota {dimensions = array<i32: 0>} : vector<16xi32>
    %scan3A = arith.constant 0 : i32
    %scan3A_6 = arith.constant 80 : i32
    %scan3A_7 = arith.addi %scan3A, %scan3A_6 : i32
    %scan3A_8 = arith.constant 1 : i32
    scf.for %scan3A_343 = %scan3A to %scan3A_7 step %scan3A_8  : i32 {
      %swap3A = arith.index_cast %scan3A_343 : i32 to index
      %swap3A_344 = arith.constant 0 : index
      %swap3A_345 = tpu.vector_load %arg5[%swap3A, %swap3A_344] {strides = array<i32>} : memref<80x512xf32, #tpu.memory_space<vmem>>, vector<16xf32>,
      tpu.vector_store %arg5[%swap3A, %swap3A_344], %broadcast_in_dim3A_3 {strides = array<i32>} : memref<80x512xf32, #tpu.memory_space<vmem>>, vector<16xf32>,
      %swap3A_346 = arith.index_cast %scan3A_343 : i32 to index
      %swap3A_347 = arith.constant 16 : index
      %swap3A_348 = tpu.vector_load %arg5[%swap3A_346, %swap3A_347] {strides = array<i32>} : memref<80x512xf32, #tpu.memory_space<vmem>>, vector<16xf32>,
      tpu.vector_store %arg5[%swap3A_346, %swap3A_347], %broadcast_in_dim3A_3 {strides = array<i32>} : memref<80x512xf32, #tpu.memory_space<vmem>>, vector<16xf32>,
      %swap3A_349 = arith.index_cast %scan3A_343 : i32 to index
      %swap3A_350 = arith.constant 32 : index
      %swap3A_351 = tpu.vector_load %arg5[%swap3A_349, %swap3A_350] {strides = array<i32>} : memref<80x512xf32, #tpu.memory_space<vmem>>, vector<16xf32>,
      tpu.vector_store %arg5[%swap3A_349, %swap3A_350], %broadcast_in_dim3A_3 {strides = array<i32>} : memref<80x512xf32, #tpu.memory_space<vmem>>, vector<16xf32>,
      %swap3A_352 = arith.index_cast %scan3A_343 : i32 to index
      %swap3A_353 = arith.constant 48 : index
      %swap3A_354 = tpu.vector_load %arg5[%swap3A_352, %swap3A_353] {strides = array<i32>} : memref<80x512xf32, #tpu.memory_space<vmem>>, vector<16xf32>,
      tpu.vector_store %arg5[%swap3A_352, %swap3A_353], %broadcast_in_dim3A_3 {strides = array<i32>} : memref<80x512xf32, #tpu.memory_space<vmem>>, vector<16xf32>,
      %swap3A_355 = arith.index_cast %scan3A_343 : i32 to index
      %swap3A_356 = arith.constant 64 : index
      %swap3A_357 = tpu.vector_load %arg5[%swap3A_355, %swap3A_356] {strides = array<i32>} : memref<80x512xf32, #tpu.memory_space<vmem>>, vector<16xf32>,
      tpu.vector_store %arg5[%swap3A_355, %swap3A_356], %broadcast_in_dim3A_3 {strides = array<i32>} : memref<80x512xf32, #tpu.memory_space<vmem>>, vector<16xf32>,
      %swap3A_358 = arith.index_cast %scan3A_343 : i32 to index
      %swap3A_359 = arith.constant 80 : index
      %swap3A_360 = tpu.vector_load %arg5[%swap3A_358, %swap3A_359] {strides = array<i32>} : memref<80x512xf32, #tpu.memory_space<vmem>>, vector<16xf32>,
      tpu.vector_store %arg5[%swap3A_358, %swap3A_359], %broadcast_in_dim3A_3 {strides = array<i32>} : memref<80x512xf32, #tpu.memory_space<vmem>>, vector<16xf32>,
      %swap3A_361 = arith.index_cast %scan3A_343 : i32 to index
      %swap3A_362 = arith.constant 96 : index
      %swap3A_363 = tpu.vector_load %arg5[%swap3A_361, %swap3A_362] {strides = array<i32>} : memref<80x512xf32, #tpu.memory_space<vmem>>, vector<16xf32>,
      tpu.vector_store %arg5[%swap3A_361, %swap3A_362], %broadcast_in_dim3A_3 {strides = array<i32>} : memref<80x512xf32, #tpu.memory_space<vmem>>, vector<16xf32>,
      %swap3A_364 = arith.index_cast %scan3A_343 : i32 to index
      %swap3A_365 = arith.constant 112 : index
      %swap3A_366 = tpu.vector_load %arg5[%swap3A_364, %swap3A_365] {strides = array<i32>} : memref<80x512xf32, #tpu.memory_space<vmem>>, vector<16xf32>,
      tpu.vector_store %arg5[%swap3A_364, %swap3A_365], %broadcast_in_dim3A_3 {strides = array<i32>} : memref<80x512xf32, #tpu.memory_space<vmem>>, vector<16xf32>,
      %swap3A_367 = arith.index_cast %scan3A_343 : i32 to index
      %swap3A_368 = arith.constant 128 : index
      %swap3A_369 = tpu.vector_load %arg5[%swap3A_367, %swap3A_368] {strides = array<i32>} : memref<80x512xf32, #tpu.memory_space<vmem>>, vector<16xf32>,
      tpu.vector_store %arg5[%swap3A_367, %swap3A_368], %broadcast_in_dim3A_3 {strides = array<i32>} : memref<80x512xf32, #tpu.memory_space<vmem>>, vector<16xf32>,
      %swap3A_370 = arith.index_cast %scan3A_343 : i32 to index
      %swap3A_371 = arith.constant 144 : index
      %swap3A_372 = tpu.vector_load %arg5[%swap3A_370, %swap3A_371] {strides = array<i32>} : memref<80x512xf32, #tpu.memory_space<vmem>>, vector<16xf32>,
      tpu.vector_store %arg5[%swap3A_370, %swap3A_371], %broadcast_in_dim3A_3 {strides = array<i32>} : memref<80x512xf32, #tpu.memory_space<vmem>>, vector<16xf32>,
      %swap3A_373 = arith.index_cast %scan3A_343 : i32 to index
      %swap3A_374 = arith.constant 160 : index
      %swap3A_375 = tpu.vector_load %arg5[%swap3A_373, %swap3A_374] {strides = array<i32>} : memref<80x512xf32, #tpu.memory_space<vmem>>, vector<16xf32>,
      tpu.vector_store %arg5[%swap3A_373, %swap3A_374], %broadcast_in_dim3A_3 {strides = array<i32>} : memref<80x512xf32, #tpu.memory_space<vmem>>, vector<16xf32>,
      %swap3A_376 = arith.index_cast %scan3A_343 : i32 to index
      %swap3A_377 = arith.constant 176 : index
      %swap3A_378 = tpu.vector_load %arg5[%swap3A_376, %swap3A_377] {strides = array<i32>} : memref<80x512xf32, #tpu.memory_space<vmem>>, vector<16xf32>,
      tpu.vector_store %arg5[%swap3A_376, %swap3A_377], %broadcast_in_dim3A_3 {strides = array<i32>} : memref<80x512xf32, #tpu.memory_space<vmem>>, vector<16xf32>,
      %swap3A_379 = arith.index_cast %scan3A_343 : i32 to index
      %swap3A_380 = arith.constant 192 : index
      %swap3A_381 = tpu.vector_load %arg5[%swap3A_379, %swap3A_380] {strides = array<i32>} : memref<80x512xf32, #tpu.memory_space<vmem>>, vector<16xf32>,
      tpu.vector_store %arg5[%swap3A_379, %swap3A_380], %broadcast_in_dim3A_3 {strides = array<i32>} : memref<80x512xf32, #tpu.memory_space<vmem>>, vector<16xf32>,
      %swap3A_382 = arith.index_cast %scan3A_343 : i32 to index
      %swap3A_383 = arith.constant 208 : index
      %swap3A_384 = tpu.vector_load %arg5[%swap3A_382, %swap3A_383] {strides = array<i32>} : memref<80x512xf32, #tpu.memory_space<vmem>>, vector<16xf32>,
      tpu.vector_store %arg5[%swap3A_382, %swap3A_383], %broadcast_in_dim3A_3 {strides = array<i32>} : memref<80x512xf32, #tpu.memory_space<vmem>>, vector<16xf32>,
      %swap3A_385 = arith.index_cast %scan3A_343 : i32 to index
      %swap3A_386 = arith.constant 224 : index
      %swap3A_387 = tpu.vector_load %arg5[%swap3A_385, %swap3A_386] {strides = array<i32>} : memref<80x512xf32, #tpu.memory_space<vmem>>, vector<16xf32>,
      tpu.vector_store %arg5[%swap3A_385, %swap3A_386], %broadcast_in_dim3A_3 {strides = array<i32>} : memref<80x512xf32, #tpu.memory_space<vmem>>, vector<16xf32>,
      %swap3A_388 = arith.index_cast %scan3A_343 : i32 to index
      %swap3A_389 = arith.constant 240 : index
      %swap3A_390 = tpu.vector_load %arg5[%swap3A_388, %swap3A_389] {strides = array<i32>} : memref<80x512xf32, #tpu.memory_space<vmem>>, vector<16xf32>,
      tpu.vector_store %arg5[%swap3A_388, %swap3A_389], %broadcast_in_dim3A_3 {strides = array<i32>} : memref<80x512xf32, #tpu.memory_space<vmem>>, vector<16xf32>,
      %swap3A_391 = arith.index_cast %scan3A_343 : i32 to index
      %swap3A_392 = arith.constant 256 : index
      %swap3A_393 = tpu.vector_load %arg5[%swap3A_391, %swap3A_392] {strides = array<i32>} : memref<80x512xf32, #tpu.memory_space<vmem>>, vector<16xf32>,
      tpu.vector_store %arg5[%swap3A_391, %swap3A_392], %broadcast_in_dim3A_3 {strides = array<i32>} : memref<80x512xf32, #tpu.memory_space<vmem>>, vector<16xf32>,
      %swap3A_394 = arith.index_cast %scan3A_343 : i32 to index
      %swap3A_395 = arith.constant 272 : index
      %swap3A_396 = tpu.vector_load %arg5[%swap3A_394, %swap3A_395] {strides = array<i32>} : memref<80x512xf32, #tpu.memory_space<vmem>>, vector<16xf32>,
      tpu.vector_store %arg5[%swap3A_394, %swap3A_395], %broadcast_in_dim3A_3 {strides = array<i32>} : memref<80x512xf32, #tpu.memory_space<vmem>>, vector<16xf32>,
      %swap3A_397 = arith.index_cast %scan3A_343 : i32 to index
      %swap3A_398 = arith.constant 288 : index
      %swap3A_399 = tpu.vector_load %arg5[%swap3A_397, %swap3A_398] {strides = array<i32>} : memref<80x512xf32, #tpu.memory_space<vmem>>, vector<16xf32>,
      tpu.vector_store %arg5[%swap3A_397, %swap3A_398], %broadcast_in_dim3A_3 {strides = array<i32>} : memref<80x512xf32, #tpu.memory_space<vmem>>, vector<16xf32>,
      %swap3A_400 = arith.index_cast %scan3A_343 : i32 to index
      %swap3A_401 = arith.constant 304 : index
      %swap3A_402 = tpu.vector_load %arg5[%swap3A_400, %swap3A_401] {strides = array<i32>} : memref<80x512xf32, #tpu.memory_space<vmem>>, vector<16xf32>,
      tpu.vector_store %arg5[%swap3A_400, %swap3A_401], %broadcast_in_dim3A_3 {strides = array<i32>} : memref<80x512xf32, #tpu.memory_space<vmem>>, vector<16xf32>,
      %swap3A_403 = arith.index_cast %scan3A_343 : i32 to index
      %swap3A_404 = arith.constant 320 : index
      %swap3A_405 = tpu.vector_load %arg5[%swap3A_403, %swap3A_404] {strides = array<i32>} : memref<80x512xf32, #tpu.memory_space<vmem>>, vector<16xf32>,
      tpu.vector_store %arg5[%swap3A_403, %swap3A_404], %broadcast_in_dim3A_3 {strides = array<i32>} : memref<80x512xf32, #tpu.memory_space<vmem>>, vector<16xf32>,
      %swap3A_406 = arith.index_cast %scan3A_343 : i32 to index
      %swap3A_407 = arith.constant 336 : index
      %swap3A_408 = tpu.vector_load %arg5[%swap3A_406, %swap3A_407] {strides = array<i32>} : memref<80x512xf32, #tpu.memory_space<vmem>>, vector<16xf32>,
      tpu.vector_store %arg5[%swap3A_406, %swap3A_407], %broadcast_in_dim3A_3 {strides = array<i32>} : memref<80x512xf32, #tpu.memory_space<vmem>>, vector<16xf32>,
      %swap3A_409 = arith.index_cast %scan3A_343 : i32 to index
      %swap3A_410 = arith.constant 352 : index
      %swap3A_411 = tpu.vector_load %arg5[%swap3A_409, %swap3A_410] {strides = array<i32>} : memref<80x512xf32, #tpu.memory_space<vmem>>, vector<16xf32>,
      tpu.vector_store %arg5[%swap3A_409, %swap3A_410], %broadcast_in_dim3A_3 {strides = array<i32>} : memref<80x512xf32, #tpu.memory_space<vmem>>, vector<16xf32>,
      %swap3A_412 = arith.index_cast %scan3A_343 : i32 to index
      %swap3A_413 = arith.constant 368 : index
      %swap3A_414 = tpu.vector_load %arg5[%swap3A_412, %swap3A_413] {strides = array<i32>} : memref<80x512xf32, #tpu.memory_space<vmem>>, vector<16xf32>,
      tpu.vector_store %arg5[%swap3A_412, %swap3A_413], %broadcast_in_dim3A_3 {strides = array<i32>} : memref<80x512xf32, #tpu.memory_space<vmem>>, vector<16xf32>,
      %swap3A_415 = arith.index_cast %scan3A_343 : i32 to index
      %swap3A_416 = arith.constant 384 : index
      %swap3A_417 = tpu.vector_load %arg5[%swap3A_415, %swap3A_416] {strides = array<i32>} : memref<80x512xf32, #tpu.memory_space<vmem>>, vector<16xf32>,
      tpu.vector_store %arg5[%swap3A_415, %swap3A_416], %broadcast_in_dim3A_3 {strides = array<i32>} : memref<80x512xf32, #tpu.memory_space<vmem>>, vector<16xf32>,
      %swap3A_418 = arith.index_cast %scan3A_343 : i32 to index
      %swap3A_419 = arith.constant 400 : index
      %swap3A_420 = tpu.vector_load %arg5[%swap3A_418, %swap3A_419] {strides = array<i32>} : memref<80x512xf32, #tpu.memory_space<vmem>>, vector<16xf32>,
      tpu.vector_store %arg5[%swap3A_418, %swap3A_419], %broadcast_in_dim3A_3 {strides = array<i32>} : memref<80x512xf32, #tpu.memory_space<vmem>>, vector<16xf32>,
      %swap3A_421 = arith.index_cast %scan3A_343 : i32 to index
      %swap3A_422 = arith.constant 416 : index
      %swap3A_423 = tpu.vector_load %arg5[%swap3A_421, %swap3A_422] {strides = array<i32>} : memref<80x512xf32, #tpu.memory_space<vmem>>, vector<16xf32>,
      tpu.vector_store %arg5[%swap3A_421, %swap3A_422], %broadcast_in_dim3A_3 {strides = array<i32>} : memref<80x512xf32, #tpu.memory_space<vmem>>, vector<16xf32>,
      %swap3A_424 = arith.index_cast %scan3A_343 : i32 to index
      %swap3A_425 = arith.constant 432 : index
      %swap3A_426 = tpu.vector_load %arg5[%swap3A_424, %swap3A_425] {strides = array<i32>} : memref<80x512xf32, #tpu.memory_space<vmem>>, vector<16xf32>,
      tpu.vector_store %arg5[%swap3A_424, %swap3A_425], %broadcast_in_dim3A_3 {strides = array<i32>} : memref<80x512xf32, #tpu.memory_space<vmem>>, vector<16xf32>,
      %swap3A_427 = arith.index_cast %scan3A_343 : i32 to index
      %swap3A_428 = arith.constant 448 : index
      %swap3A_429 = tpu.vector_load %arg5[%swap3A_427, %swap3A_428] {strides = array<i32>} : memref<80x512xf32, #tpu.memory_space<vmem>>, vector<16xf32>,
      tpu.vector_store %arg5[%swap3A_427, %swap3A_428], %broadcast_in_dim3A_3 {strides = array<i32>} : memref<80x512xf32, #tpu.memory_space<vmem>>, vector<16xf32>,
      %swap3A_430 = arith.index_cast %scan3A_343 : i32 to index
      %swap3A_431 = arith.constant 464 : index
      %swap3A_432 = tpu.vector_load %arg5[%swap3A_430, %swap3A_431] {strides = array<i32>} : memref<80x512xf32, #tpu.memory_space<vmem>>, vector<16xf32>,
      tpu.vector_store %arg5[%swap3A_430, %swap3A_431], %broadcast_in_dim3A_3 {strides = array<i32>} : memref<80x512xf32, #tpu.memory_space<vmem>>, vector<16xf32>,
      %swap3A_433 = arith.index_cast %scan3A_343 : i32 to index
      %swap3A_434 = arith.constant 480 : index
      %swap3A_435 = tpu.vector_load %arg5[%swap3A_433, %swap3A_434] {strides = array<i32>} : memref<80x512xf32, #tpu.memory_space<vmem>>, vector<16xf32>,
      tpu.vector_store %arg5[%swap3A_433, %swap3A_434], %broadcast_in_dim3A_3 {strides = array<i32>} : memref<80x512xf32, #tpu.memory_space<vmem>>, vector<16xf32>,
      %swap3A_436 = arith.index_cast %scan3A_343 : i32 to index
      %swap3A_437 = arith.constant 496 : index
      %swap3A_438 = tpu.vector_load %arg5[%swap3A_436, %swap3A_437] {strides = array<i32>} : memref<80x512xf32, #tpu.memory_space<vmem>>, vector<16xf32>,
      tpu.vector_store %arg5[%swap3A_436, %swap3A_437], %broadcast_in_dim3A_3 {strides = array<i32>} : memref<80x512xf32, #tpu.memory_space<vmem>>, vector<16xf32>,
    }
    %scan3A_9 = arith.constant 80 : i32
    %scan3A_10 = arith.constant 0 : i32
    %scan3A_11 = arith.constant 32 : i32
    %scan3A_12 = arith.addi %scan3A_10, %scan3A_11 : i32
    %scan3A_13 = arith.constant 1 : i32
    scf.for %scan3A_343 = %scan3A_10 to %scan3A_12 step %scan3A_13  : i32 {
      %mul3A_344 = arith.constant 16 : i32
      %mul3A_345 = arith.muli %scan3A_343, %mul3A_344 : i32
      %get3A = arith.index_cast %mul3A_345 : i32 to index
      %get3A_346 = tpu.vector_load %arg4[%get3A] {strides = array<i32>} : memref<512xi32, #tpu.memory_space<vmem>>, vector<16xi32>,
      %ge3A = arith.constant 0 : i32
      %ge3A_347 = vector.broadcast %ge3A : i32 to vector<16xi32>
      %ge3A_348 = arith.cmpi sge, %get3A_346, %ge3A_347 : vector<16xi32>
      %lt3A = arith.constant 80 : i32
      %lt3A_349 = vector.broadcast %lt3A : i32 to vector<16xi32>
      %lt3A_350 = arith.cmpi slt, %get3A_346, %lt3A_349 : vector<16xi32>
      %and3A = arith.andi %ge3A_348, %lt3A_350 : vector<16xi1>
      %sub3A = arith.constant 0 : i32
      %sub3A_351 = vector.broadcast %sub3A : i32 to vector<16xi32>
      %sub3A_352 = arith.subi %get3A_346, %sub3A_351 : vector<16xi32>
      %jit3A = arith.constant 0 : i32
      %broadcast_in_dim3A_353 = vector.broadcast %jit3A : i32 to vector<16xi32>
      %select_n3A = arith.select %and3A, %sub3A_352, %broadcast_in_dim3A_353 : vector<16xi1>, vector<16xi32>
      %mul3A_354 = arith.constant 16 : i32
      %mul3A_355 = arith.muli %scan3A_343, %mul3A_354 : i32
      %add3A_356 = vector.broadcast %mul3A_355 : i32 to vector<16xi32>
      %add3A_357 = arith.addi %iota3A, %add3A_356 : vector<16xi32>
      tpu.vector_store_idx %arg5[%select_n3A, %add3A_357], %broadcast_in_dim3A_5 masked %and3A : memref<80x512xf32, #tpu.memory_space<vmem>>[vector<16xi32>, vector<16xi32>], vector<16xf32>, vector<16xi1>
    }
    %scan3A_14 = arith.constant 32 : i32
    %dma_start3A = arith.constant 0 : i32
    %dma_start3A_15 = arith.constant 0 : i32
    %dma_start3A_16 = tpu.memref_slice %arg5[%dma_start3A, %dma_start3A_15] : memref<80x512xf32, #tpu.memory_space<vmem>> -> memref<80x512xf32, #tpu.memory_space<vmem>>
    %dma_start3A_17 = arith.constant 0 : i32
    %dma_start3A_18 = tpu.memref_slice %arg3[%dma_start3A_17, %mul3A_2] : memref<1000x16384xf32, #tpu.memory_space<hbm>> -> memref<80x512xf32, #tpu.memory_space<hbm>>
    %dma_start3A_19 = arith.constant 0 : i32
    %dma_start3A_20 = tpu.memref_slice %arg3[%dma_start3A_19, %mul3A_2] : memref<1000x16384xf32, #tpu.memory_space<hbm>> -> memref<80x512xf32, #tpu.memory_space<hbm>>
    %dma_start3A_21 = arith.constant 0 : i32
    %dma_start3A_22 = arith.constant 0 : i32
    %dma_start3A_23 = tpu.memref_slice %arg5[%dma_start3A_21, %dma_start3A_22] : memref<80x512xf32, #tpu.memory_space<vmem>> -> memref<80x512xf32, #tpu.memory_space<vmem>>
    tpu.enqueue_dma source(%dma_start3A_23 : memref<80x512xf32, #tpu.memory_space<vmem>>) target(%dma_start3A_20 : memref<80x512xf32, #tpu.memory_space<hbm>>) target_semaphore(%arg8 : memref<!tpu.dma_semaphore, #tpu.memory_space<semaphore_mem>>)
    %scan3A_24 = arith.constant 0 : i32
    %scan3A_25 = arith.constant 80 : i32
    %scan3A_26 = arith.addi %scan3A_24, %scan3A_25 : i32
    %scan3A_27 = arith.constant 1 : i32
    scf.for %scan3A_343 = %scan3A_24 to %scan3A_26 step %scan3A_27  : i32 {
      %swap3A = arith.index_cast %scan3A_343 : i32 to index
      %swap3A_344 = arith.constant 0 : index
      %swap3A_345 = tpu.vector_load %arg6[%swap3A, %swap3A_344] {strides = array<i32>} : memref<80x512xf32, #tpu.memory_space<vmem>>, vector<16xf32>,
      tpu.vector_store %arg6[%swap3A, %swap3A_344], %broadcast_in_dim3A_3 {strides = array<i32>} : memref<80x512xf32, #tpu.memory_space<vmem>>, vector<16xf32>,
      %swap3A_346 = arith.index_cast %scan3A_343 : i32 to index
      %swap3A_347 = arith.constant 16 : index
      %swap3A_348 = tpu.vector_load %arg6[%swap3A_346, %swap3A_347] {strides = array<i32>} : memref<80x512xf32, #tpu.memory_space<vmem>>, vector<16xf32>,
      tpu.vector_store %arg6[%swap3A_346, %swap3A_347], %broadcast_in_dim3A_3 {strides = array<i32>} : memref<80x512xf32, #tpu.memory_space<vmem>>, vector<16xf32>,
      %swap3A_349 = arith.index_cast %scan3A_343 : i32 to index
      %swap3A_350 = arith.constant 32 : index
      %swap3A_351 = tpu.vector_load %arg6[%swap3A_349, %swap3A_350] {strides = array<i32>} : memref<80x512xf32, #tpu.memory_space<vmem>>, vector<16xf32>,
      tpu.vector_store %arg6[%swap3A_349, %swap3A_350], %broadcast_in_dim3A_3 {strides = array<i32>} : memref<80x512xf32, #tpu.memory_space<vmem>>, vector<16xf32>,
      %swap3A_352 = arith.index_cast %scan3A_343 : i32 to index
      %swap3A_353 = arith.constant 48 : index
      %swap3A_354 = tpu.vector_load %arg6[%swap3A_352, %swap3A_353] {strides = array<i32>} : memref<80x512xf32, #tpu.memory_space<vmem>>, vector<16xf32>,
      tpu.vector_store %arg6[%swap3A_352, %swap3A_353], %broadcast_in_dim3A_3 {strides = array<i32>} : memref<80x512xf32, #tpu.memory_space<vmem>>, vector<16xf32>,
      %swap3A_355 = arith.index_cast %scan3A_343 : i32 to index
      %swap3A_356 = arith.constant 64 : index
      %swap3A_357 = tpu.vector_load %arg6[%swap3A_355, %swap3A_356] {strides = array<i32>} : memref<80x512xf32, #tpu.memory_space<vmem>>, vector<16xf32>,
      tpu.vector_store %arg6[%swap3A_355, %swap3A_356], %broadcast_in_dim3A_3 {strides = array<i32>} : memref<80x512xf32, #tpu.memory_space<vmem>>, vector<16xf32>,
      %swap3A_358 = arith.index_cast %scan3A_343 : i32 to index
      %swap3A_359 = arith.constant 80 : index
      %swap3A_360 = tpu.vector_load %arg6[%swap3A_358, %swap3A_359] {strides = array<i32>} : memref<80x512xf32, #tpu.memory_space<vmem>>, vector<16xf32>,
      tpu.vector_store %arg6[%swap3A_358, %swap3A_359], %broadcast_in_dim3A_3 {strides = array<i32>} : memref<80x512xf32, #tpu.memory_space<vmem>>, vector<16xf32>,
      %swap3A_361 = arith.index_cast %scan3A_343 : i32 to index
      %swap3A_362 = arith.constant 96 : index
      %swap3A_363 = tpu.vector_load %arg6[%swap3A_361, %swap3A_362] {strides = array<i32>} : memref<80x512xf32, #tpu.memory_space<vmem>>, vector<16xf32>,
      tpu.vector_store %arg6[%swap3A_361, %swap3A_362], %broadcast_in_dim3A_3 {strides = array<i32>} : memref<80x512xf32, #tpu.memory_space<vmem>>, vector<16xf32>,
      %swap3A_364 = arith.index_cast %scan3A_343 : i32 to index
      %swap3A_365 = arith.constant 112 : index
      %swap3A_366 = tpu.vector_load %arg6[%swap3A_364, %swap3A_365] {strides = array<i32>} : memref<80x512xf32, #tpu.memory_space<vmem>>, vector<16xf32>,
      tpu.vector_store %arg6[%swap3A_364, %swap3A_365], %broadcast_in_dim3A_3 {strides = array<i32>} : memref<80x512xf32, #tpu.memory_space<vmem>>, vector<16xf32>,
      %swap3A_367 = arith.index_cast %scan3A_343 : i32 to index
      %swap3A_368 = arith.constant 128 : index
      %swap3A_369 = tpu.vector_load %arg6[%swap3A_367, %swap3A_368] {strides = array<i32>} : memref<80x512xf32, #tpu.memory_space<vmem>>, vector<16xf32>,
      tpu.vector_store %arg6[%swap3A_367, %swap3A_368], %broadcast_in_dim3A_3 {strides = array<i32>} : memref<80x512xf32, #tpu.memory_space<vmem>>, vector<16xf32>,
      %swap3A_370 = arith.index_cast %scan3A_343 : i32 to index
      %swap3A_371 = arith.constant 144 : index
      %swap3A_372 = tpu.vector_load %arg6[%swap3A_370, %swap3A_371] {strides = array<i32>} : memref<80x512xf32, #tpu.memory_space<vmem>>, vector<16xf32>,
      tpu.vector_store %arg6[%swap3A_370, %swap3A_371], %broadcast_in_dim3A_3 {strides = array<i32>} : memref<80x512xf32, #tpu.memory_space<vmem>>, vector<16xf32>,
      %swap3A_373 = arith.index_cast %scan3A_343 : i32 to index
      %swap3A_374 = arith.constant 160 : index
      %swap3A_375 = tpu.vector_load %arg6[%swap3A_373, %swap3A_374] {strides = array<i32>} : memref<80x512xf32, #tpu.memory_space<vmem>>, vector<16xf32>,
      tpu.vector_store %arg6[%swap3A_373, %swap3A_374], %broadcast_in_dim3A_3 {strides = array<i32>} : memref<80x512xf32, #tpu.memory_space<vmem>>, vector<16xf32>,
      %swap3A_376 = arith.index_cast %scan3A_343 : i32 to index
      %swap3A_377 = arith.constant 176 : index
      %swap3A_378 = tpu.vector_load %arg6[%swap3A_376, %swap3A_377] {strides = array<i32>} : memref<80x512xf32, #tpu.memory_space<vmem>>, vector<16xf32>,
      tpu.vector_store %arg6[%swap3A_376, %swap3A_377], %broadcast_in_dim3A_3 {strides = array<i32>} : memref<80x512xf32, #tpu.memory_space<vmem>>, vector<16xf32>,
      %swap3A_379 = arith.index_cast %scan3A_343 : i32 to index
      %swap3A_380 = arith.constant 192 : index
      %swap3A_381 = tpu.vector_load %arg6[%swap3A_379, %swap3A_380] {strides = array<i32>} : memref<80x512xf32, #tpu.memory_space<vmem>>, vector<16xf32>,
      tpu.vector_store %arg6[%swap3A_379, %swap3A_380], %broadcast_in_dim3A_3 {strides = array<i32>} : memref<80x512xf32, #tpu.memory_space<vmem>>, vector<16xf32>,
      %swap3A_382 = arith.index_cast %scan3A_343 : i32 to index
      %swap3A_383 = arith.constant 208 : index
      %swap3A_384 = tpu.vector_load %arg6[%swap3A_382, %swap3A_383] {strides = array<i32>} : memref<80x512xf32, #tpu.memory_space<vmem>>, vector<16xf32>,
      tpu.vector_store %arg6[%swap3A_382, %swap3A_383], %broadcast_in_dim3A_3 {strides = array<i32>} : memref<80x512xf32, #tpu.memory_space<vmem>>, vector<16xf32>,
      %swap3A_385 = arith.index_cast %scan3A_343 : i32 to index
      %swap3A_386 = arith.constant 224 : index
      %swap3A_387 = tpu.vector_load %arg6[%swap3A_385, %swap3A_386] {strides = array<i32>} : memref<80x512xf32, #tpu.memory_space<vmem>>, vector<16xf32>,
      tpu.vector_store %arg6[%swap3A_385, %swap3A_386], %broadcast_in_dim3A_3 {strides = array<i32>} : memref<80x512xf32, #tpu.memory_space<vmem>>, vector<16xf32>,
      %swap3A_388 = arith.index_cast %scan3A_343 : i32 to index
      %swap3A_389 = arith.constant 240 : index
      %swap3A_390 = tpu.vector_load %arg6[%swap3A_388, %swap3A_389] {strides = array<i32>} : memref<80x512xf32, #tpu.memory_space<vmem>>, vector<16xf32>,
      tpu.vector_store %arg6[%swap3A_388, %swap3A_389], %broadcast_in_dim3A_3 {strides = array<i32>} : memref<80x512xf32, #tpu.memory_space<vmem>>, vector<16xf32>,
      %swap3A_391 = arith.index_cast %scan3A_343 : i32 to index
      %swap3A_392 = arith.constant 256 : index
      %swap3A_393 = tpu.vector_load %arg6[%swap3A_391, %swap3A_392] {strides = array<i32>} : memref<80x512xf32, #tpu.memory_space<vmem>>, vector<16xf32>,
      tpu.vector_store %arg6[%swap3A_391, %swap3A_392], %broadcast_in_dim3A_3 {strides = array<i32>} : memref<80x512xf32, #tpu.memory_space<vmem>>, vector<16xf32>,
      %swap3A_394 = arith.index_cast %scan3A_343 : i32 to index
      %swap3A_395 = arith.constant 272 : index
      %swap3A_396 = tpu.vector_load %arg6[%swap3A_394, %swap3A_395] {strides = array<i32>} : memref<80x512xf32, #tpu.memory_space<vmem>>, vector<16xf32>,
      tpu.vector_store %arg6[%swap3A_394, %swap3A_395], %broadcast_in_dim3A_3 {strides = array<i32>} : memref<80x512xf32, #tpu.memory_space<vmem>>, vector<16xf32>,
      %swap3A_397 = arith.index_cast %scan3A_343 : i32 to index
      %swap3A_398 = arith.constant 288 : index
      %swap3A_399 = tpu.vector_load %arg6[%swap3A_397, %swap3A_398] {strides = array<i32>} : memref<80x512xf32, #tpu.memory_space<vmem>>, vector<16xf32>,
      tpu.vector_store %arg6[%swap3A_397, %swap3A_398], %broadcast_in_dim3A_3 {strides = array<i32>} : memref<80x512xf32, #tpu.memory_space<vmem>>, vector<16xf32>,
      %swap3A_400 = arith.index_cast %scan3A_343 : i32 to index
      %swap3A_401 = arith.constant 304 : index
      %swap3A_402 = tpu.vector_load %arg6[%swap3A_400, %swap3A_401] {strides = array<i32>} : memref<80x512xf32, #tpu.memory_space<vmem>>, vector<16xf32>,
      tpu.vector_store %arg6[%swap3A_400, %swap3A_401], %broadcast_in_dim3A_3 {strides = array<i32>} : memref<80x512xf32, #tpu.memory_space<vmem>>, vector<16xf32>,
      %swap3A_403 = arith.index_cast %scan3A_343 : i32 to index
      %swap3A_404 = arith.constant 320 : index
      %swap3A_405 = tpu.vector_load %arg6[%swap3A_403, %swap3A_404] {strides = array<i32>} : memref<80x512xf32, #tpu.memory_space<vmem>>, vector<16xf32>,
      tpu.vector_store %arg6[%swap3A_403, %swap3A_404], %broadcast_in_dim3A_3 {strides = array<i32>} : memref<80x512xf32, #tpu.memory_space<vmem>>, vector<16xf32>,
      %swap3A_406 = arith.index_cast %scan3A_343 : i32 to index
      %swap3A_407 = arith.constant 336 : index
      %swap3A_408 = tpu.vector_load %arg6[%swap3A_406, %swap3A_407] {strides = array<i32>} : memref<80x512xf32, #tpu.memory_space<vmem>>, vector<16xf32>,
      tpu.vector_store %arg6[%swap3A_406, %swap3A_407], %broadcast_in_dim3A_3 {strides = array<i32>} : memref<80x512xf32, #tpu.memory_space<vmem>>, vector<16xf32>,
      %swap3A_409 = arith.index_cast %scan3A_343 : i32 to index
      %swap3A_410 = arith.constant 352 : index
      %swap3A_411 = tpu.vector_load %arg6[%swap3A_409, %swap3A_410] {strides = array<i32>} : memref<80x512xf32, #tpu.memory_space<vmem>>, vector<16xf32>,
      tpu.vector_store %arg6[%swap3A_409, %swap3A_410], %broadcast_in_dim3A_3 {strides = array<i32>} : memref<80x512xf32, #tpu.memory_space<vmem>>, vector<16xf32>,
      %swap3A_412 = arith.index_cast %scan3A_343 : i32 to index
      %swap3A_413 = arith.constant 368 : index
      %swap3A_414 = tpu.vector_load %arg6[%swap3A_412, %swap3A_413] {strides = array<i32>} : memref<80x512xf32, #tpu.memory_space<vmem>>, vector<16xf32>,
      tpu.vector_store %arg6[%swap3A_412, %swap3A_413], %broadcast_in_dim3A_3 {strides = array<i32>} : memref<80x512xf32, #tpu.memory_space<vmem>>, vector<16xf32>,
      %swap3A_415 = arith.index_cast %scan3A_343 : i32 to index
      %swap3A_416 = arith.constant 384 : index
      %swap3A_417 = tpu.vector_load %arg6[%swap3A_415, %swap3A_416] {strides = array<i32>} : memref<80x512xf32, #tpu.memory_space<vmem>>, vector<16xf32>,
      tpu.vector_store %arg6[%swap3A_415, %swap3A_416], %broadcast_in_dim3A_3 {strides = array<i32>} : memref<80x512xf32, #tpu.memory_space<vmem>>, vector<16xf32>,
      %swap3A_418 = arith.index_cast %scan3A_343 : i32 to index
      %swap3A_419 = arith.constant 400 : index
      %swap3A_420 = tpu.vector_load %arg6[%swap3A_418, %swap3A_419] {strides = array<i32>} : memref<80x512xf32, #tpu.memory_space<vmem>>, vector<16xf32>,
      tpu.vector_store %arg6[%swap3A_418, %swap3A_419], %broadcast_in_dim3A_3 {strides = array<i32>} : memref<80x512xf32, #tpu.memory_space<vmem>>, vector<16xf32>,
      %swap3A_421 = arith.index_cast %scan3A_343 : i32 to index
      %swap3A_422 = arith.constant 416 : index
      %swap3A_423 = tpu.vector_load %arg6[%swap3A_421, %swap3A_422] {strides = array<i32>} : memref<80x512xf32, #tpu.memory_space<vmem>>, vector<16xf32>,
      tpu.vector_store %arg6[%swap3A_421, %swap3A_422], %broadcast_in_dim3A_3 {strides = array<i32>} : memref<80x512xf32, #tpu.memory_space<vmem>>, vector<16xf32>,
      %swap3A_424 = arith.index_cast %scan3A_343 : i32 to index
      %swap3A_425 = arith.constant 432 : index
      %swap3A_426 = tpu.vector_load %arg6[%swap3A_424, %swap3A_425] {strides = array<i32>} : memref<80x512xf32, #tpu.memory_space<vmem>>, vector<16xf32>,
      tpu.vector_store %arg6[%swap3A_424, %swap3A_425], %broadcast_in_dim3A_3 {strides = array<i32>} : memref<80x512xf32, #tpu.memory_space<vmem>>, vector<16xf32>,
      %swap3A_427 = arith.index_cast %scan3A_343 : i32 to index
      %swap3A_428 = arith.constant 448 : index
      %swap3A_429 = tpu.vector_load %arg6[%swap3A_427, %swap3A_428] {strides = array<i32>} : memref<80x512xf32, #tpu.memory_space<vmem>>, vector<16xf32>,
      tpu.vector_store %arg6[%swap3A_427, %swap3A_428], %broadcast_in_dim3A_3 {strides = array<i32>} : memref<80x512xf32, #tpu.memory_space<vmem>>, vector<16xf32>,
      %swap3A_430 = arith.index_cast %scan3A_343 : i32 to index
      %swap3A_431 = arith.constant 464 : index
      %swap3A_432 = tpu.vector_load %arg6[%swap3A_430, %swap3A_431] {strides = array<i32>} : memref<80x512xf32, #tpu.memory_space<vmem>>, vector<16xf32>,
      tpu.vector_store %arg6[%swap3A_430, %swap3A_431], %broadcast_in_dim3A_3 {strides = array<i32>} : memref<80x512xf32, #tpu.memory_space<vmem>>, vector<16xf32>,
      %swap3A_433 = arith.index_cast %scan3A_343 : i32 to index
      %swap3A_434 = arith.constant 480 : index
      %swap3A_435 = tpu.vector_load %arg6[%swap3A_433, %swap3A_434] {strides = array<i32>} : memref<80x512xf32, #tpu.memory_space<vmem>>, vector<16xf32>,
      tpu.vector_store %arg6[%swap3A_433, %swap3A_434], %broadcast_in_dim3A_3 {strides = array<i32>} : memref<80x512xf32, #tpu.memory_space<vmem>>, vector<16xf32>,
      %swap3A_436 = arith.index_cast %scan3A_343 : i32 to index
      %swap3A_437 = arith.constant 496 : index
      %swap3A_438 = tpu.vector_load %arg6[%swap3A_436, %swap3A_437] {strides = array<i32>} : memref<80x512xf32, #tpu.memory_space<vmem>>, vector<16xf32>,
      tpu.vector_store %arg6[%swap3A_436, %swap3A_437], %broadcast_in_dim3A_3 {strides = array<i32>} : memref<80x512xf32, #tpu.memory_space<vmem>>, vector<16xf32>,
    }
    %scan3A_28 = arith.constant 80 : i32
    %scan3A_29 = arith.constant 0 : i32
    %scan3A_30 = arith.constant 32 : i32
    %scan3A_31 = arith.addi %scan3A_29, %scan3A_30 : i32
    %scan3A_32 = arith.constant 1 : i32
    scf.for %scan3A_343 = %scan3A_29 to %scan3A_31 step %scan3A_32  : i32 {
      %mul3A_344 = arith.constant 16 : i32
      %mul3A_345 = arith.muli %scan3A_343, %mul3A_344 : i32
      %get3A = arith.index_cast %mul3A_345 : i32 to index
      %get3A_346 = tpu.vector_load %arg4[%get3A] {strides = array<i32>} : memref<512xi32, #tpu.memory_space<vmem>>, vector<16xi32>,
      %ge3A = arith.constant 80 : i32
      %ge3A_347 = vector.broadcast %ge3A : i32 to vector<16xi32>
      %ge3A_348 = arith.cmpi sge, %get3A_346, %ge3A_347 : vector<16xi32>
      %lt3A = arith.constant 160 : i32
      %lt3A_349 = vector.broadcast %lt3A : i32 to vector<16xi32>
      %lt3A_350 = arith.cmpi slt, %get3A_346, %lt3A_349 : vector<16xi32>
      %and3A = arith.andi %ge3A_348, %lt3A_350 : vector<16xi1>
      %sub3A = arith.constant 80 : i32
      %sub3A_351 = vector.broadcast %sub3A : i32 to vector<16xi32>
      %sub3A_352 = arith.subi %get3A_346, %sub3A_351 : vector<16xi32>
      %jit3A = arith.constant 0 : i32
      %broadcast_in_dim3A_353 = vector.broadcast %jit3A : i32 to vector<16xi32>
      %select_n3A = arith.select %and3A, %sub3A_352, %broadcast_in_dim3A_353 : vector<16xi1>, vector<16xi32>
      %mul3A_354 = arith.constant 16 : i32
      %mul3A_355 = arith.muli %scan3A_343, %mul3A_354 : i32
      %add3A_356 = vector.broadcast %mul3A_355 : i32 to vector<16xi32>
      %add3A_357 = arith.addi %iota3A, %add3A_356 : vector<16xi32>
      tpu.vector_store_idx %arg6[%select_n3A, %add3A_357], %broadcast_in_dim3A_5 masked %and3A : memref<80x512xf32, #tpu.memory_space<vmem>>[vector<16xi32>, vector<16xi32>], vector<16xf32>, vector<16xi1>
    }
    %scan3A_33 = arith.constant 32 : i32
    %dma_start3A_34 = arith.constant 0 : i32
    %dma_start3A_35 = arith.constant 0 : i32
    %dma_start3A_36 = tpu.memref_slice %arg6[%dma_start3A_34, %dma_start3A_35] : memref<80x512xf32, #tpu.memory_space<vmem>> -> memref<80x512xf32, #tpu.memory_space<vmem>>
    %dma_start3A_37 = arith.constant 80 : i32
    %dma_start3A_38 = tpu.memref_slice %arg3[%dma_start3A_37, %mul3A_2] : memref<1000x16384xf32, #tpu.memory_space<hbm>> -> memref<80x512xf32, #tpu.memory_space<hbm>>
    %dma_start3A_39 = arith.constant 80 : i32
    %dma_start3A_40 = tpu.memref_slice %arg3[%dma_start3A_39, %mul3A_2] : memref<1000x16384xf32, #tpu.memory_space<hbm>> -> memref<80x512xf32, #tpu.memory_space<hbm>>
    %dma_start3A_41 = arith.constant 0 : i32
    %dma_start3A_42 = arith.constant 0 : i32
    %dma_start3A_43 = tpu.memref_slice %arg6[%dma_start3A_41, %dma_start3A_42] : memref<80x512xf32, #tpu.memory_space<vmem>> -> memref<80x512xf32, #tpu.memory_space<vmem>>
    tpu.enqueue_dma source(%dma_start3A_43 : memref<80x512xf32, #tpu.memory_space<vmem>>) target(%dma_start3A_40 : memref<80x512xf32, #tpu.memory_space<hbm>>) target_semaphore(%arg9 : memref<!tpu.dma_semaphore, #tpu.memory_space<semaphore_mem>>)
    %scan3A_44 = arith.constant 0 : i32
    %scan3A_45 = arith.constant 80 : i32
    %scan3A_46 = arith.addi %scan3A_44, %scan3A_45 : i32
    %scan3A_47 = arith.constant 1 : i32
    scf.for %scan3A_343 = %scan3A_44 to %scan3A_46 step %scan3A_47  : i32 {
      %swap3A = arith.index_cast %scan3A_343 : i32 to index
      %swap3A_344 = arith.constant 0 : index
      %swap3A_345 = tpu.vector_load %arg7[%swap3A, %swap3A_344] {strides = array<i32>} : memref<80x512xf32, #tpu.memory_space<vmem>>, vector<16xf32>,
      tpu.vector_store %arg7[%swap3A, %swap3A_344], %broadcast_in_dim3A_3 {strides = array<i32>} : memref<80x512xf32, #tpu.memory_space<vmem>>, vector<16xf32>,
      %swap3A_346 = arith.index_cast %scan3A_343 : i32 to index
      %swap3A_347 = arith.constant 16 : index
      %swap3A_348 = tpu.vector_load %arg7[%swap3A_346, %swap3A_347] {strides = array<i32>} : memref<80x512xf32, #tpu.memory_space<vmem>>, vector<16xf32>,
      tpu.vector_store %arg7[%swap3A_346, %swap3A_347], %broadcast_in_dim3A_3 {strides = array<i32>} : memref<80x512xf32, #tpu.memory_space<vmem>>, vector<16xf32>,
      %swap3A_349 = arith.index_cast %scan3A_343 : i32 to index
      %swap3A_350 = arith.constant 32 : index
      %swap3A_351 = tpu.vector_load %arg7[%swap3A_349, %swap3A_350] {strides = array<i32>} : memref<80x512xf32, #tpu.memory_space<vmem>>, vector<16xf32>,
      tpu.vector_store %arg7[%swap3A_349, %swap3A_350], %broadcast_in_dim3A_3 {strides = array<i32>} : memref<80x512xf32, #tpu.memory_space<vmem>>, vector<16xf32>,
      %swap3A_352 = arith.index_cast %scan3A_343 : i32 to index
      %swap3A_353 = arith.constant 48 : index
      %swap3A_354 = tpu.vector_load %arg7[%swap3A_352, %swap3A_353] {strides = array<i32>} : memref<80x512xf32, #tpu.memory_space<vmem>>, vector<16xf32>,
      tpu.vector_store %arg7[%swap3A_352, %swap3A_353], %broadcast_in_dim3A_3 {strides = array<i32>} : memref<80x512xf32, #tpu.memory_space<vmem>>, vector<16xf32>,
      %swap3A_355 = arith.index_cast %scan3A_343 : i32 to index
      %swap3A_356 = arith.constant 64 : index
      %swap3A_357 = tpu.vector_load %arg7[%swap3A_355, %swap3A_356] {strides = array<i32>} : memref<80x512xf32, #tpu.memory_space<vmem>>, vector<16xf32>,
      tpu.vector_store %arg7[%swap3A_355, %swap3A_356], %broadcast_in_dim3A_3 {strides = array<i32>} : memref<80x512xf32, #tpu.memory_space<vmem>>, vector<16xf32>,
      %swap3A_358 = arith.index_cast %scan3A_343 : i32 to index
      %swap3A_359 = arith.constant 80 : index
      %swap3A_360 = tpu.vector_load %arg7[%swap3A_358, %swap3A_359] {strides = array<i32>} : memref<80x512xf32, #tpu.memory_space<vmem>>, vector<16xf32>,
      tpu.vector_store %arg7[%swap3A_358, %swap3A_359], %broadcast_in_dim3A_3 {strides = array<i32>} : memref<80x512xf32, #tpu.memory_space<vmem>>, vector<16xf32>,
      %swap3A_361 = arith.index_cast %scan3A_343 : i32 to index
      %swap3A_362 = arith.constant 96 : index
      %swap3A_363 = tpu.vector_load %arg7[%swap3A_361, %swap3A_362] {strides = array<i32>} : memref<80x512xf32, #tpu.memory_space<vmem>>, vector<16xf32>,
      tpu.vector_store %arg7[%swap3A_361, %swap3A_362], %broadcast_in_dim3A_3 {strides = array<i32>} : memref<80x512xf32, #tpu.memory_space<vmem>>, vector<16xf32>,
      %swap3A_364 = arith.index_cast %scan3A_343 : i32 to index
      %swap3A_365 = arith.constant 112 : index
      %swap3A_366 = tpu.vector_load %arg7[%swap3A_364, %swap3A_365] {strides = array<i32>} : memref<80x512xf32, #tpu.memory_space<vmem>>, vector<16xf32>,
      tpu.vector_store %arg7[%swap3A_364, %swap3A_365], %broadcast_in_dim3A_3 {strides = array<i32>} : memref<80x512xf32, #tpu.memory_space<vmem>>, vector<16xf32>,
      %swap3A_367 = arith.index_cast %scan3A_343 : i32 to index
      %swap3A_368 = arith.constant 128 : index
      %swap3A_369 = tpu.vector_load %arg7[%swap3A_367, %swap3A_368] {strides = array<i32>} : memref<80x512xf32, #tpu.memory_space<vmem>>, vector<16xf32>,
      tpu.vector_store %arg7[%swap3A_367, %swap3A_368], %broadcast_in_dim3A_3 {strides = array<i32>} : memref<80x512xf32, #tpu.memory_space<vmem>>, vector<16xf32>,
      %swap3A_370 = arith.index_cast %scan3A_343 : i32 to index
      %swap3A_371 = arith.constant 144 : index
      %swap3A_372 = tpu.vector_load %arg7[%swap3A_370, %swap3A_371] {strides = array<i32>} : memref<80x512xf32, #tpu.memory_space<vmem>>, vector<16xf32>,
      tpu.vector_store %arg7[%swap3A_370, %swap3A_371], %broadcast_in_dim3A_3 {strides = array<i32>} : memref<80x512xf32, #tpu.memory_space<vmem>>, vector<16xf32>,
      %swap3A_373 = arith.index_cast %scan3A_343 : i32 to index
      %swap3A_374 = arith.constant 160 : index
      %swap3A_375 = tpu.vector_load %arg7[%swap3A_373, %swap3A_374] {strides = array<i32>} : memref<80x512xf32, #tpu.memory_space<vmem>>, vector<16xf32>,
      tpu.vector_store %arg7[%swap3A_373, %swap3A_374], %broadcast_in_dim3A_3 {strides = array<i32>} : memref<80x512xf32, #tpu.memory_space<vmem>>, vector<16xf32>,
      %swap3A_376 = arith.index_cast %scan3A_343 : i32 to index
      %swap3A_377 = arith.constant 176 : index
      %swap3A_378 = tpu.vector_load %arg7[%swap3A_376, %swap3A_377] {strides = array<i32>} : memref<80x512xf32, #tpu.memory_space<vmem>>, vector<16xf32>,
      tpu.vector_store %arg7[%swap3A_376, %swap3A_377], %broadcast_in_dim3A_3 {strides = array<i32>} : memref<80x512xf32, #tpu.memory_space<vmem>>, vector<16xf32>,
      %swap3A_379 = arith.index_cast %scan3A_343 : i32 to index
      %swap3A_380 = arith.constant 192 : index
      %swap3A_381 = tpu.vector_load %arg7[%swap3A_379, %swap3A_380] {strides = array<i32>} : memref<80x512xf32, #tpu.memory_space<vmem>>, vector<16xf32>,
      tpu.vector_store %arg7[%swap3A_379, %swap3A_380], %broadcast_in_dim3A_3 {strides = array<i32>} : memref<80x512xf32, #tpu.memory_space<vmem>>, vector<16xf32>,
      %swap3A_382 = arith.index_cast %scan3A_343 : i32 to index
      %swap3A_383 = arith.constant 208 : index
      %swap3A_384 = tpu.vector_load %arg7[%swap3A_382, %swap3A_383] {strides = array<i32>} : memref<80x512xf32, #tpu.memory_space<vmem>>, vector<16xf32>,
      tpu.vector_store %arg7[%swap3A_382, %swap3A_383], %broadcast_in_dim3A_3 {strides = array<i32>} : memref<80x512xf32, #tpu.memory_space<vmem>>, vector<16xf32>,
      %swap3A_385 = arith.index_cast %scan3A_343 : i32 to index
      %swap3A_386 = arith.constant 224 : index
      %swap3A_387 = tpu.vector_load %arg7[%swap3A_385, %swap3A_386] {strides = array<i32>} : memref<80x512xf32, #tpu.memory_space<vmem>>, vector<16xf32>,
      tpu.vector_store %arg7[%swap3A_385, %swap3A_386], %broadcast_in_dim3A_3 {strides = array<i32>} : memref<80x512xf32, #tpu.memory_space<vmem>>, vector<16xf32>,
      %swap3A_388 = arith.index_cast %scan3A_343 : i32 to index
      %swap3A_389 = arith.constant 240 : index
      %swap3A_390 = tpu.vector_load %arg7[%swap3A_388, %swap3A_389] {strides = array<i32>} : memref<80x512xf32, #tpu.memory_space<vmem>>, vector<16xf32>,
      tpu.vector_store %arg7[%swap3A_388, %swap3A_389], %broadcast_in_dim3A_3 {strides = array<i32>} : memref<80x512xf32, #tpu.memory_space<vmem>>, vector<16xf32>,
      %swap3A_391 = arith.index_cast %scan3A_343 : i32 to index
      %swap3A_392 = arith.constant 256 : index
      %swap3A_393 = tpu.vector_load %arg7[%swap3A_391, %swap3A_392] {strides = array<i32>} : memref<80x512xf32, #tpu.memory_space<vmem>>, vector<16xf32>,
      tpu.vector_store %arg7[%swap3A_391, %swap3A_392], %broadcast_in_dim3A_3 {strides = array<i32>} : memref<80x512xf32, #tpu.memory_space<vmem>>, vector<16xf32>,
      %swap3A_394 = arith.index_cast %scan3A_343 : i32 to index
      %swap3A_395 = arith.constant 272 : index
      %swap3A_396 = tpu.vector_load %arg7[%swap3A_394, %swap3A_395] {strides = array<i32>} : memref<80x512xf32, #tpu.memory_space<vmem>>, vector<16xf32>,
      tpu.vector_store %arg7[%swap3A_394, %swap3A_395], %broadcast_in_dim3A_3 {strides = array<i32>} : memref<80x512xf32, #tpu.memory_space<vmem>>, vector<16xf32>,
      %swap3A_397 = arith.index_cast %scan3A_343 : i32 to index
      %swap3A_398 = arith.constant 288 : index
      %swap3A_399 = tpu.vector_load %arg7[%swap3A_397, %swap3A_398] {strides = array<i32>} : memref<80x512xf32, #tpu.memory_space<vmem>>, vector<16xf32>,
      tpu.vector_store %arg7[%swap3A_397, %swap3A_398], %broadcast_in_dim3A_3 {strides = array<i32>} : memref<80x512xf32, #tpu.memory_space<vmem>>, vector<16xf32>,
      %swap3A_400 = arith.index_cast %scan3A_343 : i32 to index
      %swap3A_401 = arith.constant 304 : index
      %swap3A_402 = tpu.vector_load %arg7[%swap3A_400, %swap3A_401] {strides = array<i32>} : memref<80x512xf32, #tpu.memory_space<vmem>>, vector<16xf32>,
      tpu.vector_store %arg7[%swap3A_400, %swap3A_401], %broadcast_in_dim3A_3 {strides = array<i32>} : memref<80x512xf32, #tpu.memory_space<vmem>>, vector<16xf32>,
      %swap3A_403 = arith.index_cast %scan3A_343 : i32 to index
      %swap3A_404 = arith.constant 320 : index
      %swap3A_405 = tpu.vector_load %arg7[%swap3A_403, %swap3A_404] {strides = array<i32>} : memref<80x512xf32, #tpu.memory_space<vmem>>, vector<16xf32>,
      tpu.vector_store %arg7[%swap3A_403, %swap3A_404], %broadcast_in_dim3A_3 {strides = array<i32>} : memref<80x512xf32, #tpu.memory_space<vmem>>, vector<16xf32>,
      %swap3A_406 = arith.index_cast %scan3A_343 : i32 to index
      %swap3A_407 = arith.constant 336 : index
      %swap3A_408 = tpu.vector_load %arg7[%swap3A_406, %swap3A_407] {strides = array<i32>} : memref<80x512xf32, #tpu.memory_space<vmem>>, vector<16xf32>,
      tpu.vector_store %arg7[%swap3A_406, %swap3A_407], %broadcast_in_dim3A_3 {strides = array<i32>} : memref<80x512xf32, #tpu.memory_space<vmem>>, vector<16xf32>,
      %swap3A_409 = arith.index_cast %scan3A_343 : i32 to index
      %swap3A_410 = arith.constant 352 : index
      %swap3A_411 = tpu.vector_load %arg7[%swap3A_409, %swap3A_410] {strides = array<i32>} : memref<80x512xf32, #tpu.memory_space<vmem>>, vector<16xf32>,
      tpu.vector_store %arg7[%swap3A_409, %swap3A_410], %broadcast_in_dim3A_3 {strides = array<i32>} : memref<80x512xf32, #tpu.memory_space<vmem>>, vector<16xf32>,
      %swap3A_412 = arith.index_cast %scan3A_343 : i32 to index
      %swap3A_413 = arith.constant 368 : index
      %swap3A_414 = tpu.vector_load %arg7[%swap3A_412, %swap3A_413] {strides = array<i32>} : memref<80x512xf32, #tpu.memory_space<vmem>>, vector<16xf32>,
      tpu.vector_store %arg7[%swap3A_412, %swap3A_413], %broadcast_in_dim3A_3 {strides = array<i32>} : memref<80x512xf32, #tpu.memory_space<vmem>>, vector<16xf32>,
      %swap3A_415 = arith.index_cast %scan3A_343 : i32 to index
      %swap3A_416 = arith.constant 384 : index
      %swap3A_417 = tpu.vector_load %arg7[%swap3A_415, %swap3A_416] {strides = array<i32>} : memref<80x512xf32, #tpu.memory_space<vmem>>, vector<16xf32>,
      tpu.vector_store %arg7[%swap3A_415, %swap3A_416], %broadcast_in_dim3A_3 {strides = array<i32>} : memref<80x512xf32, #tpu.memory_space<vmem>>, vector<16xf32>,
      %swap3A_418 = arith.index_cast %scan3A_343 : i32 to index
      %swap3A_419 = arith.constant 400 : index
      %swap3A_420 = tpu.vector_load %arg7[%swap3A_418, %swap3A_419] {strides = array<i32>} : memref<80x512xf32, #tpu.memory_space<vmem>>, vector<16xf32>,
      tpu.vector_store %arg7[%swap3A_418, %swap3A_419], %broadcast_in_dim3A_3 {strides = array<i32>} : memref<80x512xf32, #tpu.memory_space<vmem>>, vector<16xf32>,
      %swap3A_421 = arith.index_cast %scan3A_343 : i32 to index
      %swap3A_422 = arith.constant 416 : index
      %swap3A_423 = tpu.vector_load %arg7[%swap3A_421, %swap3A_422] {strides = array<i32>} : memref<80x512xf32, #tpu.memory_space<vmem>>, vector<16xf32>,
      tpu.vector_store %arg7[%swap3A_421, %swap3A_422], %broadcast_in_dim3A_3 {strides = array<i32>} : memref<80x512xf32, #tpu.memory_space<vmem>>, vector<16xf32>,
      %swap3A_424 = arith.index_cast %scan3A_343 : i32 to index
      %swap3A_425 = arith.constant 432 : index
      %swap3A_426 = tpu.vector_load %arg7[%swap3A_424, %swap3A_425] {strides = array<i32>} : memref<80x512xf32, #tpu.memory_space<vmem>>, vector<16xf32>,
      tpu.vector_store %arg7[%swap3A_424, %swap3A_425], %broadcast_in_dim3A_3 {strides = array<i32>} : memref<80x512xf32, #tpu.memory_space<vmem>>, vector<16xf32>,
      %swap3A_427 = arith.index_cast %scan3A_343 : i32 to index
      %swap3A_428 = arith.constant 448 : index
      %swap3A_429 = tpu.vector_load %arg7[%swap3A_427, %swap3A_428] {strides = array<i32>} : memref<80x512xf32, #tpu.memory_space<vmem>>, vector<16xf32>,
      tpu.vector_store %arg7[%swap3A_427, %swap3A_428], %broadcast_in_dim3A_3 {strides = array<i32>} : memref<80x512xf32, #tpu.memory_space<vmem>>, vector<16xf32>,
      %swap3A_430 = arith.index_cast %scan3A_343 : i32 to index
      %swap3A_431 = arith.constant 464 : index
      %swap3A_432 = tpu.vector_load %arg7[%swap3A_430, %swap3A_431] {strides = array<i32>} : memref<80x512xf32, #tpu.memory_space<vmem>>, vector<16xf32>,
      tpu.vector_store %arg7[%swap3A_430, %swap3A_431], %broadcast_in_dim3A_3 {strides = array<i32>} : memref<80x512xf32, #tpu.memory_space<vmem>>, vector<16xf32>,
      %swap3A_433 = arith.index_cast %scan3A_343 : i32 to index
      %swap3A_434 = arith.constant 480 : index
      %swap3A_435 = tpu.vector_load %arg7[%swap3A_433, %swap3A_434] {strides = array<i32>} : memref<80x512xf32, #tpu.memory_space<vmem>>, vector<16xf32>,
      tpu.vector_store %arg7[%swap3A_433, %swap3A_434], %broadcast_in_dim3A_3 {strides = array<i32>} : memref<80x512xf32, #tpu.memory_space<vmem>>, vector<16xf32>,
      %swap3A_436 = arith.index_cast %scan3A_343 : i32 to index
      %swap3A_437 = arith.constant 496 : index
      %swap3A_438 = tpu.vector_load %arg7[%swap3A_436, %swap3A_437] {strides = array<i32>} : memref<80x512xf32, #tpu.memory_space<vmem>>, vector<16xf32>,
      tpu.vector_store %arg7[%swap3A_436, %swap3A_437], %broadcast_in_dim3A_3 {strides = array<i32>} : memref<80x512xf32, #tpu.memory_space<vmem>>, vector<16xf32>,
    }
    %scan3A_48 = arith.constant 80 : i32
    %scan3A_49 = arith.constant 0 : i32
    %scan3A_50 = arith.constant 32 : i32
    %scan3A_51 = arith.addi %scan3A_49, %scan3A_50 : i32
    %scan3A_52 = arith.constant 1 : i32
    scf.for %scan3A_343 = %scan3A_49 to %scan3A_51 step %scan3A_52  : i32 {
      %mul3A_344 = arith.constant 16 : i32
      %mul3A_345 = arith.muli %scan3A_343, %mul3A_344 : i32
      %get3A = arith.index_cast %mul3A_345 : i32 to index
      %get3A_346 = tpu.vector_load %arg4[%get3A] {strides = array<i32>} : memref<512xi32, #tpu.memory_space<vmem>>, vector<16xi32>,
      %ge3A = arith.constant 160 : i32
      %ge3A_347 = vector.broadcast %ge3A : i32 to vector<16xi32>
      %ge3A_348 = arith.cmpi sge, %get3A_346, %ge3A_347 : vector<16xi32>
      %lt3A = arith.constant 240 : i32
      %lt3A_349 = vector.broadcast %lt3A : i32 to vector<16xi32>
      %lt3A_350 = arith.cmpi slt, %get3A_346, %lt3A_349 : vector<16xi32>
      %and3A = arith.andi %ge3A_348, %lt3A_350 : vector<16xi1>
      %sub3A = arith.constant 160 : i32
      %sub3A_351 = vector.broadcast %sub3A : i32 to vector<16xi32>
      %sub3A_352 = arith.subi %get3A_346, %sub3A_351 : vector<16xi32>
      %jit3A = arith.constant 0 : i32
      %broadcast_in_dim3A_353 = vector.broadcast %jit3A : i32 to vector<16xi32>
      %select_n3A = arith.select %and3A, %sub3A_352, %broadcast_in_dim3A_353 : vector<16xi1>, vector<16xi32>
      %mul3A_354 = arith.constant 16 : i32
      %mul3A_355 = arith.muli %scan3A_343, %mul3A_354 : i32
      %add3A_356 = vector.broadcast %mul3A_355 : i32 to vector<16xi32>
      %add3A_357 = arith.addi %iota3A, %add3A_356 : vector<16xi32>
      tpu.vector_store_idx %arg7[%select_n3A, %add3A_357], %broadcast_in_dim3A_5 masked %and3A : memref<80x512xf32, #tpu.memory_space<vmem>>[vector<16xi32>, vector<16xi32>], vector<16xf32>, vector<16xi1>
    }
    %scan3A_53 = arith.constant 32 : i32
    %dma_start3A_54 = arith.constant 0 : i32
    %dma_start3A_55 = arith.constant 0 : i32
    %dma_start3A_56 = tpu.memref_slice %arg7[%dma_start3A_54, %dma_start3A_55] : memref<80x512xf32, #tpu.memory_space<vmem>> -> memref<80x512xf32, #tpu.memory_space<vmem>>
    %dma_start3A_57 = arith.constant 160 : i32
    %dma_start3A_58 = tpu.memref_slice %arg3[%dma_start3A_57, %mul3A_2] : memref<1000x16384xf32, #tpu.memory_space<hbm>> -> memref<80x512xf32, #tpu.memory_space<hbm>>
    %dma_start3A_59 = arith.constant 160 : i32
    %dma_start3A_60 = tpu.memref_slice %arg3[%dma_start3A_59, %mul3A_2] : memref<1000x16384xf32, #tpu.memory_space<hbm>> -> memref<80x512xf32, #tpu.memory_space<hbm>>
    %dma_start3A_61 = arith.constant 0 : i32
    %dma_start3A_62 = arith.constant 0 : i32
    %dma_start3A_63 = tpu.memref_slice %arg7[%dma_start3A_61, %dma_start3A_62] : memref<80x512xf32, #tpu.memory_space<vmem>> -> memref<80x512xf32, #tpu.memory_space<vmem>>
    tpu.enqueue_dma source(%dma_start3A_63 : memref<80x512xf32, #tpu.memory_space<vmem>>) target(%dma_start3A_60 : memref<80x512xf32, #tpu.memory_space<hbm>>) target_semaphore(%arg10 : memref<!tpu.dma_semaphore, #tpu.memory_space<semaphore_mem>>)
    %dma_wait3A = arith.constant 0 : i32
    %dma_wait3A_64 = arith.constant 0 : i32
    %dma_wait3A_65 = tpu.memref_slice %arg5[%dma_wait3A, %dma_wait3A_64] : memref<80x512xf32, #tpu.memory_space<vmem>> -> memref<80x512xf32, #tpu.memory_space<vmem>>
    %dma_wait3A_66 = arith.constant 0 : i32
    %dma_wait3A_67 = tpu.memref_slice %arg3[%dma_wait3A_66, %mul3A_2] : memref<1000x16384xf32, #tpu.memory_space<hbm>> -> memref<80x512xf32, #tpu.memory_space<hbm>>
    %dma_wait3A_68 = arith.constant 0 : i32
    %dma_wait3A_69 = tpu.memref_slice %arg3[%dma_wait3A_68, %mul3A_2] : memref<1000x16384xf32, #tpu.memory_space<hbm>> -> memref<80x512xf32, #tpu.memory_space<hbm>>
    %dma_wait3A_70 = arith.constant 0 : i32
    %dma_wait3A_71 = arith.constant 0 : i32
    %dma_wait3A_72 = tpu.memref_slice %arg5[%dma_wait3A_70, %dma_wait3A_71] : memref<80x512xf32, #tpu.memory_space<vmem>> -> memref<80x512xf32, #tpu.memory_space<vmem>>
    tpu.wait_dma2 semaphore(%arg8 : memref<!tpu.dma_semaphore, #tpu.memory_space<semaphore_mem>>) src(%dma_wait3A_72 : memref<80x512xf32, #tpu.memory_space<vmem>>) dst(%dma_wait3A_69 : memref<80x512xf32, #tpu.memory_space<hbm>>)
    %scan3A_73 = arith.constant 0 : i32
    %scan3A_74 = arith.constant 32 : i32
    %scan3A_75 = arith.addi %scan3A_73, %scan3A_74 : i32
    %scan3A_76 = arith.constant 1 : i32
    scf.for %scan3A_343 = %scan3A_73 to %scan3A_75 step %scan3A_76  : i32 {
      %mul3A_344 = arith.constant 16 : i32
      %mul3A_345 = arith.muli %scan3A_343, %mul3A_344 : i32
      %get3A = arith.index_cast %mul3A_345 : i32 to index
      %get3A_346 = tpu.vector_load %arg4[%get3A] {strides = array<i32>} : memref<512xi32, #tpu.memory_space<vmem>>, vector<16xi32>,
      %mul3A_347 = arith.constant 16 : i32
      %mul3A_348 = arith.muli %scan3A_343, %mul3A_347 : i32
      %add3A_349 = vector.broadcast %mul3A_348 : i32 to vector<16xi32>
      %add3A_350 = arith.addi %iota3A, %add3A_349 : vector<16xi32>
      %ge3A = arith.constant 0 : i32
      %ge3A_351 = vector.broadcast %ge3A : i32 to vector<16xi32>
      %ge3A_352 = arith.cmpi sge, %get3A_346, %ge3A_351 : vector<16xi32>
      %lt3A = arith.constant 80 : i32
      %lt3A_353 = vector.broadcast %lt3A : i32 to vector<16xi32>
      %lt3A_354 = arith.cmpi slt, %get3A_346, %lt3A_353 : vector<16xi32>
      %and3A = arith.andi %ge3A_352, %lt3A_354 : vector<16xi1>
      %sub3A = arith.constant 0 : i32
      %sub3A_355 = vector.broadcast %sub3A : i32 to vector<16xi32>
      %sub3A_356 = arith.subi %get3A_346, %sub3A_355 : vector<16xi32>
      %jit3A = arith.constant 0 : i32
      %broadcast_in_dim3A_357 = vector.broadcast %jit3A : i32 to vector<16xi32>
      %select_n3A = arith.select %and3A, %sub3A_356, %broadcast_in_dim3A_357 : vector<16xi1>, vector<16xi32>
      tpu.vector_store_idx %arg5[%select_n3A, %add3A_350], %broadcast_in_dim3A_3 masked %and3A : memref<80x512xf32, #tpu.memory_space<vmem>>[vector<16xi32>, vector<16xi32>], vector<16xf32>, vector<16xi1>
      %ge3A_358 = arith.constant 240 : i32
      %ge3A_359 = vector.broadcast %ge3A_358 : i32 to vector<16xi32>
      %ge3A_360 = arith.cmpi sge, %get3A_346, %ge3A_359 : vector<16xi32>
      %lt3A_361 = arith.constant 320 : i32
      %lt3A_362 = vector.broadcast %lt3A_361 : i32 to vector<16xi32>
      %lt3A_363 = arith.cmpi slt, %get3A_346, %lt3A_362 : vector<16xi32>
      %and3A_364 = arith.andi %ge3A_360, %lt3A_363 : vector<16xi1>
      %sub3A_365 = arith.constant 240 : i32
      %sub3A_366 = vector.broadcast %sub3A_365 : i32 to vector<16xi32>
      %sub3A_367 = arith.subi %get3A_346, %sub3A_366 : vector<16xi32>
      %jit3A_368 = arith.constant 0 : i32
      %broadcast_in_dim3A_369 = vector.broadcast %jit3A_368 : i32 to vector<16xi32>
      %select_n3A_370 = arith.select %and3A_364, %sub3A_367, %broadcast_in_dim3A_369 : vector<16xi1>, vector<16xi32>
      tpu.vector_store_idx %arg5[%select_n3A_370, %add3A_350], %broadcast_in_dim3A_5 masked %and3A_364 : memref<80x512xf32, #tpu.memory_space<vmem>>[vector<16xi32>, vector<16xi32>], vector<16xf32>, vector<16xi1>
    }
    %scan3A_77 = arith.constant 32 : i32
    %dma_start3A_78 = arith.constant 0 : i32
    %dma_start3A_79 = arith.constant 0 : i32
    %dma_start3A_80 = tpu.memref_slice %arg5[%dma_start3A_78, %dma_start3A_79] : memref<80x512xf32, #tpu.memory_space<vmem>> -> memref<80x512xf32, #tpu.memory_space<vmem>>
    %dma_start3A_81 = arith.constant 240 : i32
    %dma_start3A_82 = tpu.memref_slice %arg3[%dma_start3A_81, %mul3A_2] : memref<1000x16384xf32, #tpu.memory_space<hbm>> -> memref<80x512xf32, #tpu.memory_space<hbm>>
    %dma_start3A_83 = arith.constant 240 : i32
    %dma_start3A_84 = tpu.memref_slice %arg3[%dma_start3A_83, %mul3A_2] : memref<1000x16384xf32, #tpu.memory_space<hbm>> -> memref<80x512xf32, #tpu.memory_space<hbm>>
    %dma_start3A_85 = arith.constant 0 : i32
    %dma_start3A_86 = arith.constant 0 : i32
    %dma_start3A_87 = tpu.memref_slice %arg5[%dma_start3A_85, %dma_start3A_86] : memref<80x512xf32, #tpu.memory_space<vmem>> -> memref<80x512xf32, #tpu.memory_space<vmem>>
    tpu.enqueue_dma source(%dma_start3A_87 : memref<80x512xf32, #tpu.memory_space<vmem>>) target(%dma_start3A_84 : memref<80x512xf32, #tpu.memory_space<hbm>>) target_semaphore(%arg8 : memref<!tpu.dma_semaphore, #tpu.memory_space<semaphore_mem>>)
    %dma_wait3A_88 = arith.constant 0 : i32
    %dma_wait3A_89 = arith.constant 0 : i32
    %dma_wait3A_90 = tpu.memref_slice %arg6[%dma_wait3A_88, %dma_wait3A_89] : memref<80x512xf32, #tpu.memory_space<vmem>> -> memref<80x512xf32, #tpu.memory_space<vmem>>
    %dma_wait3A_91 = arith.constant 80 : i32
    %dma_wait3A_92 = tpu.memref_slice %arg3[%dma_wait3A_91, %mul3A_2] : memref<1000x16384xf32, #tpu.memory_space<hbm>> -> memref<80x512xf32, #tpu.memory_space<hbm>>
    %dma_wait3A_93 = arith.constant 80 : i32
    %dma_wait3A_94 = tpu.memref_slice %arg3[%dma_wait3A_93, %mul3A_2] : memref<1000x16384xf32, #tpu.memory_space<hbm>> -> memref<80x512xf32, #tpu.memory_space<hbm>>
    %dma_wait3A_95 = arith.constant 0 : i32
    %dma_wait3A_96 = arith.constant 0 : i32
    %dma_wait3A_97 = tpu.memref_slice %arg6[%dma_wait3A_95, %dma_wait3A_96] : memref<80x512xf32, #tpu.memory_space<vmem>> -> memref<80x512xf32, #tpu.memory_space<vmem>>
    tpu.wait_dma2 semaphore(%arg9 : memref<!tpu.dma_semaphore, #tpu.memory_space<semaphore_mem>>) src(%dma_wait3A_97 : memref<80x512xf32, #tpu.memory_space<vmem>>) dst(%dma_wait3A_94 : memref<80x512xf32, #tpu.memory_space<hbm>>)
    %scan3A_98 = arith.constant 0 : i32
    %scan3A_99 = arith.constant 32 : i32
    %scan3A_100 = arith.addi %scan3A_98, %scan3A_99 : i32
    %scan3A_101 = arith.constant 1 : i32
    scf.for %scan3A_343 = %scan3A_98 to %scan3A_100 step %scan3A_101  : i32 {
      %mul3A_344 = arith.constant 16 : i32
      %mul3A_345 = arith.muli %scan3A_343, %mul3A_344 : i32
      %get3A = arith.index_cast %mul3A_345 : i32 to index
      %get3A_346 = tpu.vector_load %arg4[%get3A] {strides = array<i32>} : memref<512xi32, #tpu.memory_space<vmem>>, vector<16xi32>,
      %mul3A_347 = arith.constant 16 : i32
      %mul3A_348 = arith.muli %scan3A_343, %mul3A_347 : i32
      %add3A_349 = vector.broadcast %mul3A_348 : i32 to vector<16xi32>
      %add3A_350 = arith.addi %iota3A, %add3A_349 : vector<16xi32>
      %ge3A = arith.constant 80 : i32
      %ge3A_351 = vector.broadcast %ge3A : i32 to vector<16xi32>
      %ge3A_352 = arith.cmpi sge, %get3A_346, %ge3A_351 : vector<16xi32>
      %lt3A = arith.constant 160 : i32
      %lt3A_353 = vector.broadcast %lt3A : i32 to vector<16xi32>
      %lt3A_354 = arith.cmpi slt, %get3A_346, %lt3A_353 : vector<16xi32>
      %and3A = arith.andi %ge3A_352, %lt3A_354 : vector<16xi1>
      %sub3A = arith.constant 80 : i32
      %sub3A_355 = vector.broadcast %sub3A : i32 to vector<16xi32>
      %sub3A_356 = arith.subi %get3A_346, %sub3A_355 : vector<16xi32>
      %jit3A = arith.constant 0 : i32
      %broadcast_in_dim3A_357 = vector.broadcast %jit3A : i32 to vector<16xi32>
      %select_n3A = arith.select %and3A, %sub3A_356, %broadcast_in_dim3A_357 : vector<16xi1>, vector<16xi32>
      tpu.vector_store_idx %arg6[%select_n3A, %add3A_350], %broadcast_in_dim3A_3 masked %and3A : memref<80x512xf32, #tpu.memory_space<vmem>>[vector<16xi32>, vector<16xi32>], vector<16xf32>, vector<16xi1>
      %ge3A_358 = arith.constant 320 : i32
      %ge3A_359 = vector.broadcast %ge3A_358 : i32 to vector<16xi32>
      %ge3A_360 = arith.cmpi sge, %get3A_346, %ge3A_359 : vector<16xi32>
      %lt3A_361 = arith.constant 400 : i32
      %lt3A_362 = vector.broadcast %lt3A_361 : i32 to vector<16xi32>
      %lt3A_363 = arith.cmpi slt, %get3A_346, %lt3A_362 : vector<16xi32>
      %and3A_364 = arith.andi %ge3A_360, %lt3A_363 : vector<16xi1>
      %sub3A_365 = arith.constant 320 : i32
      %sub3A_366 = vector.broadcast %sub3A_365 : i32 to vector<16xi32>
      %sub3A_367 = arith.subi %get3A_346, %sub3A_366 : vector<16xi32>
      %jit3A_368 = arith.constant 0 : i32
      %broadcast_in_dim3A_369 = vector.broadcast %jit3A_368 : i32 to vector<16xi32>
      %select_n3A_370 = arith.select %and3A_364, %sub3A_367, %broadcast_in_dim3A_369 : vector<16xi1>, vector<16xi32>
      tpu.vector_store_idx %arg6[%select_n3A_370, %add3A_350], %broadcast_in_dim3A_5 masked %and3A_364 : memref<80x512xf32, #tpu.memory_space<vmem>>[vector<16xi32>, vector<16xi32>], vector<16xf32>, vector<16xi1>
    }
    %scan3A_102 = arith.constant 32 : i32
    %dma_start3A_103 = arith.constant 0 : i32
    %dma_start3A_104 = arith.constant 0 : i32
    %dma_start3A_105 = tpu.memref_slice %arg6[%dma_start3A_103, %dma_start3A_104] : memref<80x512xf32, #tpu.memory_space<vmem>> -> memref<80x512xf32, #tpu.memory_space<vmem>>
    %dma_start3A_106 = arith.constant 320 : i32
    %dma_start3A_107 = tpu.memref_slice %arg3[%dma_start3A_106, %mul3A_2] : memref<1000x16384xf32, #tpu.memory_space<hbm>> -> memref<80x512xf32, #tpu.memory_space<hbm>>
    %dma_start3A_108 = arith.constant 320 : i32
    %dma_start3A_109 = tpu.memref_slice %arg3[%dma_start3A_108, %mul3A_2] : memref<1000x16384xf32, #tpu.memory_space<hbm>> -> memref<80x512xf32, #tpu.memory_space<hbm>>
    %dma_start3A_110 = arith.constant 0 : i32
    %dma_start3A_111 = arith.constant 0 : i32
    %dma_start3A_112 = tpu.memref_slice %arg6[%dma_start3A_110, %dma_start3A_111] : memref<80x512xf32, #tpu.memory_space<vmem>> -> memref<80x512xf32, #tpu.memory_space<vmem>>
    tpu.enqueue_dma source(%dma_start3A_112 : memref<80x512xf32, #tpu.memory_space<vmem>>) target(%dma_start3A_109 : memref<80x512xf32, #tpu.memory_space<hbm>>) target_semaphore(%arg9 : memref<!tpu.dma_semaphore, #tpu.memory_space<semaphore_mem>>)
    %dma_wait3A_113 = arith.constant 0 : i32
    %dma_wait3A_114 = arith.constant 0 : i32
    %dma_wait3A_115 = tpu.memref_slice %arg7[%dma_wait3A_113, %dma_wait3A_114] : memref<80x512xf32, #tpu.memory_space<vmem>> -> memref<80x512xf32, #tpu.memory_space<vmem>>
    %dma_wait3A_116 = arith.constant 160 : i32
    %dma_wait3A_117 = tpu.memref_slice %arg3[%dma_wait3A_116, %mul3A_2] : memref<1000x16384xf32, #tpu.memory_space<hbm>> -> memref<80x512xf32, #tpu.memory_space<hbm>>
    %dma_wait3A_118 = arith.constant 160 : i32
    %dma_wait3A_119 = tpu.memref_slice %arg3[%dma_wait3A_118, %mul3A_2] : memref<1000x16384xf32, #tpu.memory_space<hbm>> -> memref<80x512xf32, #tpu.memory_space<hbm>>
    %dma_wait3A_120 = arith.constant 0 : i32
    %dma_wait3A_121 = arith.constant 0 : i32
    %dma_wait3A_122 = tpu.memref_slice %arg7[%dma_wait3A_120, %dma_wait3A_121] : memref<80x512xf32, #tpu.memory_space<vmem>> -> memref<80x512xf32, #tpu.memory_space<vmem>>
    tpu.wait_dma2 semaphore(%arg10 : memref<!tpu.dma_semaphore, #tpu.memory_space<semaphore_mem>>) src(%dma_wait3A_122 : memref<80x512xf32, #tpu.memory_space<vmem>>) dst(%dma_wait3A_119 : memref<80x512xf32, #tpu.memory_space<hbm>>)
    %scan3A_123 = arith.constant 0 : i32
    %scan3A_124 = arith.constant 32 : i32
    %scan3A_125 = arith.addi %scan3A_123, %scan3A_124 : i32
    %scan3A_126 = arith.constant 1 : i32
    scf.for %scan3A_343 = %scan3A_123 to %scan3A_125 step %scan3A_126  : i32 {
      %mul3A_344 = arith.constant 16 : i32
      %mul3A_345 = arith.muli %scan3A_343, %mul3A_344 : i32
      %get3A = arith.index_cast %mul3A_345 : i32 to index
      %get3A_346 = tpu.vector_load %arg4[%get3A] {strides = array<i32>} : memref<512xi32, #tpu.memory_space<vmem>>, vector<16xi32>,
      %mul3A_347 = arith.constant 16 : i32
      %mul3A_348 = arith.muli %scan3A_343, %mul3A_347 : i32
      %add3A_349 = vector.broadcast %mul3A_348 : i32 to vector<16xi32>
      %add3A_350 = arith.addi %iota3A, %add3A_349 : vector<16xi32>
      %ge3A = arith.constant 160 : i32
      %ge3A_351 = vector.broadcast %ge3A : i32 to vector<16xi32>
      %ge3A_352 = arith.cmpi sge, %get3A_346, %ge3A_351 : vector<16xi32>
      %lt3A = arith.constant 240 : i32
      %lt3A_353 = vector.broadcast %lt3A : i32 to vector<16xi32>
      %lt3A_354 = arith.cmpi slt, %get3A_346, %lt3A_353 : vector<16xi32>
      %and3A = arith.andi %ge3A_352, %lt3A_354 : vector<16xi1>
      %sub3A = arith.constant 160 : i32
      %sub3A_355 = vector.broadcast %sub3A : i32 to vector<16xi32>
      %sub3A_356 = arith.subi %get3A_346, %sub3A_355 : vector<16xi32>
      %jit3A = arith.constant 0 : i32
      %broadcast_in_dim3A_357 = vector.broadcast %jit3A : i32 to vector<16xi32>
      %select_n3A = arith.select %and3A, %sub3A_356, %broadcast_in_dim3A_357 : vector<16xi1>, vector<16xi32>
      tpu.vector_store_idx %arg7[%select_n3A, %add3A_350], %broadcast_in_dim3A_3 masked %and3A : memref<80x512xf32, #tpu.memory_space<vmem>>[vector<16xi32>, vector<16xi32>], vector<16xf32>, vector<16xi1>
      %ge3A_358 = arith.constant 400 : i32
      %ge3A_359 = vector.broadcast %ge3A_358 : i32 to vector<16xi32>
      %ge3A_360 = arith.cmpi sge, %get3A_346, %ge3A_359 : vector<16xi32>
      %lt3A_361 = arith.constant 480 : i32
      %lt3A_362 = vector.broadcast %lt3A_361 : i32 to vector<16xi32>
      %lt3A_363 = arith.cmpi slt, %get3A_346, %lt3A_362 : vector<16xi32>
      %and3A_364 = arith.andi %ge3A_360, %lt3A_363 : vector<16xi1>
      %sub3A_365 = arith.constant 400 : i32
      %sub3A_366 = vector.broadcast %sub3A_365 : i32 to vector<16xi32>
      %sub3A_367 = arith.subi %get3A_346, %sub3A_366 : vector<16xi32>
      %jit3A_368 = arith.constant 0 : i32
      %broadcast_in_dim3A_369 = vector.broadcast %jit3A_368 : i32 to vector<16xi32>
      %select_n3A_370 = arith.select %and3A_364, %sub3A_367, %broadcast_in_dim3A_369 : vector<16xi1>, vector<16xi32>
      tpu.vector_store_idx %arg7[%select_n3A_370, %add3A_350], %broadcast_in_dim3A_5 masked %and3A_364 : memref<80x512xf32, #tpu.memory_space<vmem>>[vector<16xi32>, vector<16xi32>], vector<16xf32>, vector<16xi1>
    }
    %scan3A_127 = arith.constant 32 : i32
    %dma_start3A_128 = arith.constant 0 : i32
    %dma_start3A_129 = arith.constant 0 : i32
    %dma_start3A_130 = tpu.memref_slice %arg7[%dma_start3A_128, %dma_start3A_129] : memref<80x512xf32, #tpu.memory_space<vmem>> -> memref<80x512xf32, #tpu.memory_space<vmem>>
    %dma_start3A_131 = arith.constant 400 : i32
    %dma_start3A_132 = tpu.memref_slice %arg3[%dma_start3A_131, %mul3A_2] : memref<1000x16384xf32, #tpu.memory_space<hbm>> -> memref<80x512xf32, #tpu.memory_space<hbm>>
    %dma_start3A_133 = arith.constant 400 : i32
    %dma_start3A_134 = tpu.memref_slice %arg3[%dma_start3A_133, %mul3A_2] : memref<1000x16384xf32, #tpu.memory_space<hbm>> -> memref<80x512xf32, #tpu.memory_space<hbm>>
    %dma_start3A_135 = arith.constant 0 : i32
    %dma_start3A_136 = arith.constant 0 : i32
    %dma_start3A_137 = tpu.memref_slice %arg7[%dma_start3A_135, %dma_start3A_136] : memref<80x512xf32, #tpu.memory_space<vmem>> -> memref<80x512xf32, #tpu.memory_space<vmem>>
    tpu.enqueue_dma source(%dma_start3A_137 : memref<80x512xf32, #tpu.memory_space<vmem>>) target(%dma_start3A_134 : memref<80x512xf32, #tpu.memory_space<hbm>>) target_semaphore(%arg10 : memref<!tpu.dma_semaphore, #tpu.memory_space<semaphore_mem>>)
    %dma_wait3A_138 = arith.constant 0 : i32
    %dma_wait3A_139 = arith.constant 0 : i32
    %dma_wait3A_140 = tpu.memref_slice %arg5[%dma_wait3A_138, %dma_wait3A_139] : memref<80x512xf32, #tpu.memory_space<vmem>> -> memref<80x512xf32, #tpu.memory_space<vmem>>
    %dma_wait3A_141 = arith.constant 240 : i32
    %dma_wait3A_142 = tpu.memref_slice %arg3[%dma_wait3A_141, %mul3A_2] : memref<1000x16384xf32, #tpu.memory_space<hbm>> -> memref<80x512xf32, #tpu.memory_space<hbm>>
    %dma_wait3A_143 = arith.constant 240 : i32
    %dma_wait3A_144 = tpu.memref_slice %arg3[%dma_wait3A_143, %mul3A_2] : memref<1000x16384xf32, #tpu.memory_space<hbm>> -> memref<80x512xf32, #tpu.memory_space<hbm>>
    %dma_wait3A_145 = arith.constant 0 : i32
    %dma_wait3A_146 = arith.constant 0 : i32
    %dma_wait3A_147 = tpu.memref_slice %arg5[%dma_wait3A_145, %dma_wait3A_146] : memref<80x512xf32, #tpu.memory_space<vmem>> -> memref<80x512xf32, #tpu.memory_space<vmem>>
    tpu.wait_dma2 semaphore(%arg8 : memref<!tpu.dma_semaphore, #tpu.memory_space<semaphore_mem>>) src(%dma_wait3A_147 : memref<80x512xf32, #tpu.memory_space<vmem>>) dst(%dma_wait3A_144 : memref<80x512xf32, #tpu.memory_space<hbm>>)
    %scan3A_148 = arith.constant 0 : i32
    %scan3A_149 = arith.constant 32 : i32
    %scan3A_150 = arith.addi %scan3A_148, %scan3A_149 : i32
    %scan3A_151 = arith.constant 1 : i32
    scf.for %scan3A_343 = %scan3A_148 to %scan3A_150 step %scan3A_151  : i32 {
      %mul3A_344 = arith.constant 16 : i32
      %mul3A_345 = arith.muli %scan3A_343, %mul3A_344 : i32
      %get3A = arith.index_cast %mul3A_345 : i32 to index
      %get3A_346 = tpu.vector_load %arg4[%get3A] {strides = array<i32>} : memref<512xi32, #tpu.memory_space<vmem>>, vector<16xi32>,
      %mul3A_347 = arith.constant 16 : i32
      %mul3A_348 = arith.muli %scan3A_343, %mul3A_347 : i32
      %add3A_349 = vector.broadcast %mul3A_348 : i32 to vector<16xi32>
      %add3A_350 = arith.addi %iota3A, %add3A_349 : vector<16xi32>
      %ge3A = arith.constant 240 : i32
      %ge3A_351 = vector.broadcast %ge3A : i32 to vector<16xi32>
      %ge3A_352 = arith.cmpi sge, %get3A_346, %ge3A_351 : vector<16xi32>
      %lt3A = arith.constant 320 : i32
      %lt3A_353 = vector.broadcast %lt3A : i32 to vector<16xi32>
      %lt3A_354 = arith.cmpi slt, %get3A_346, %lt3A_353 : vector<16xi32>
      %and3A = arith.andi %ge3A_352, %lt3A_354 : vector<16xi1>
      %sub3A = arith.constant 240 : i32
      %sub3A_355 = vector.broadcast %sub3A : i32 to vector<16xi32>
      %sub3A_356 = arith.subi %get3A_346, %sub3A_355 : vector<16xi32>
      %jit3A = arith.constant 0 : i32
      %broadcast_in_dim3A_357 = vector.broadcast %jit3A : i32 to vector<16xi32>
      %select_n3A = arith.select %and3A, %sub3A_356, %broadcast_in_dim3A_357 : vector<16xi1>, vector<16xi32>
      tpu.vector_store_idx %arg5[%select_n3A, %add3A_350], %broadcast_in_dim3A_3 masked %and3A : memref<80x512xf32, #tpu.memory_space<vmem>>[vector<16xi32>, vector<16xi32>], vector<16xf32>, vector<16xi1>
      %ge3A_358 = arith.constant 480 : i32
      %ge3A_359 = vector.broadcast %ge3A_358 : i32 to vector<16xi32>
      %ge3A_360 = arith.cmpi sge, %get3A_346, %ge3A_359 : vector<16xi32>
      %lt3A_361 = arith.constant 560 : i32
      %lt3A_362 = vector.broadcast %lt3A_361 : i32 to vector<16xi32>
      %lt3A_363 = arith.cmpi slt, %get3A_346, %lt3A_362 : vector<16xi32>
      %and3A_364 = arith.andi %ge3A_360, %lt3A_363 : vector<16xi1>
      %sub3A_365 = arith.constant 480 : i32
      %sub3A_366 = vector.broadcast %sub3A_365 : i32 to vector<16xi32>
      %sub3A_367 = arith.subi %get3A_346, %sub3A_366 : vector<16xi32>
      %jit3A_368 = arith.constant 0 : i32
      %broadcast_in_dim3A_369 = vector.broadcast %jit3A_368 : i32 to vector<16xi32>
      %select_n3A_370 = arith.select %and3A_364, %sub3A_367, %broadcast_in_dim3A_369 : vector<16xi1>, vector<16xi32>
      tpu.vector_store_idx %arg5[%select_n3A_370, %add3A_350], %broadcast_in_dim3A_5 masked %and3A_364 : memref<80x512xf32, #tpu.memory_space<vmem>>[vector<16xi32>, vector<16xi32>], vector<16xf32>, vector<16xi1>
    }
    %scan3A_152 = arith.constant 32 : i32
    %dma_start3A_153 = arith.constant 0 : i32
    %dma_start3A_154 = arith.constant 0 : i32
    %dma_start3A_155 = tpu.memref_slice %arg5[%dma_start3A_153, %dma_start3A_154] : memref<80x512xf32, #tpu.memory_space<vmem>> -> memref<80x512xf32, #tpu.memory_space<vmem>>
    %dma_start3A_156 = arith.constant 480 : i32
    %dma_start3A_157 = tpu.memref_slice %arg3[%dma_start3A_156, %mul3A_2] : memref<1000x16384xf32, #tpu.memory_space<hbm>> -> memref<80x512xf32, #tpu.memory_space<hbm>>
    %dma_start3A_158 = arith.constant 480 : i32
    %dma_start3A_159 = tpu.memref_slice %arg3[%dma_start3A_158, %mul3A_2] : memref<1000x16384xf32, #tpu.memory_space<hbm>> -> memref<80x512xf32, #tpu.memory_space<hbm>>
    %dma_start3A_160 = arith.constant 0 : i32
    %dma_start3A_161 = arith.constant 0 : i32
    %dma_start3A_162 = tpu.memref_slice %arg5[%dma_start3A_160, %dma_start3A_161] : memref<80x512xf32, #tpu.memory_space<vmem>> -> memref<80x512xf32, #tpu.memory_space<vmem>>
    tpu.enqueue_dma source(%dma_start3A_162 : memref<80x512xf32, #tpu.memory_space<vmem>>) target(%dma_start3A_159 : memref<80x512xf32, #tpu.memory_space<hbm>>) target_semaphore(%arg8 : memref<!tpu.dma_semaphore, #tpu.memory_space<semaphore_mem>>)
    %dma_wait3A_163 = arith.constant 0 : i32
    %dma_wait3A_164 = arith.constant 0 : i32
    %dma_wait3A_165 = tpu.memref_slice %arg6[%dma_wait3A_163, %dma_wait3A_164] : memref<80x512xf32, #tpu.memory_space<vmem>> -> memref<80x512xf32, #tpu.memory_space<vmem>>
    %dma_wait3A_166 = arith.constant 320 : i32
    %dma_wait3A_167 = tpu.memref_slice %arg3[%dma_wait3A_166, %mul3A_2] : memref<1000x16384xf32, #tpu.memory_space<hbm>> -> memref<80x512xf32, #tpu.memory_space<hbm>>
    %dma_wait3A_168 = arith.constant 320 : i32
    %dma_wait3A_169 = tpu.memref_slice %arg3[%dma_wait3A_168, %mul3A_2] : memref<1000x16384xf32, #tpu.memory_space<hbm>> -> memref<80x512xf32, #tpu.memory_space<hbm>>
    %dma_wait3A_170 = arith.constant 0 : i32
    %dma_wait3A_171 = arith.constant 0 : i32
    %dma_wait3A_172 = tpu.memref_slice %arg6[%dma_wait3A_170, %dma_wait3A_171] : memref<80x512xf32, #tpu.memory_space<vmem>> -> memref<80x512xf32, #tpu.memory_space<vmem>>
    tpu.wait_dma2 semaphore(%arg9 : memref<!tpu.dma_semaphore, #tpu.memory_space<semaphore_mem>>) src(%dma_wait3A_172 : memref<80x512xf32, #tpu.memory_space<vmem>>) dst(%dma_wait3A_169 : memref<80x512xf32, #tpu.memory_space<hbm>>)
    %scan3A_173 = arith.constant 0 : i32
    %scan3A_174 = arith.constant 32 : i32
    %scan3A_175 = arith.addi %scan3A_173, %scan3A_174 : i32
    %scan3A_176 = arith.constant 1 : i32
    scf.for %scan3A_343 = %scan3A_173 to %scan3A_175 step %scan3A_176  : i32 {
      %mul3A_344 = arith.constant 16 : i32
      %mul3A_345 = arith.muli %scan3A_343, %mul3A_344 : i32
      %get3A = arith.index_cast %mul3A_345 : i32 to index
      %get3A_346 = tpu.vector_load %arg4[%get3A] {strides = array<i32>} : memref<512xi32, #tpu.memory_space<vmem>>, vector<16xi32>,
      %mul3A_347 = arith.constant 16 : i32
      %mul3A_348 = arith.muli %scan3A_343, %mul3A_347 : i32
      %add3A_349 = vector.broadcast %mul3A_348 : i32 to vector<16xi32>
      %add3A_350 = arith.addi %iota3A, %add3A_349 : vector<16xi32>
      %ge3A = arith.constant 320 : i32
      %ge3A_351 = vector.broadcast %ge3A : i32 to vector<16xi32>
      %ge3A_352 = arith.cmpi sge, %get3A_346, %ge3A_351 : vector<16xi32>
      %lt3A = arith.constant 400 : i32
      %lt3A_353 = vector.broadcast %lt3A : i32 to vector<16xi32>
      %lt3A_354 = arith.cmpi slt, %get3A_346, %lt3A_353 : vector<16xi32>
      %and3A = arith.andi %ge3A_352, %lt3A_354 : vector<16xi1>
      %sub3A = arith.constant 320 : i32
      %sub3A_355 = vector.broadcast %sub3A : i32 to vector<16xi32>
      %sub3A_356 = arith.subi %get3A_346, %sub3A_355 : vector<16xi32>
      %jit3A = arith.constant 0 : i32
      %broadcast_in_dim3A_357 = vector.broadcast %jit3A : i32 to vector<16xi32>
      %select_n3A = arith.select %and3A, %sub3A_356, %broadcast_in_dim3A_357 : vector<16xi1>, vector<16xi32>
      tpu.vector_store_idx %arg6[%select_n3A, %add3A_350], %broadcast_in_dim3A_3 masked %and3A : memref<80x512xf32, #tpu.memory_space<vmem>>[vector<16xi32>, vector<16xi32>], vector<16xf32>, vector<16xi1>
      %ge3A_358 = arith.constant 560 : i32
      %ge3A_359 = vector.broadcast %ge3A_358 : i32 to vector<16xi32>
      %ge3A_360 = arith.cmpi sge, %get3A_346, %ge3A_359 : vector<16xi32>
      %lt3A_361 = arith.constant 640 : i32
      %lt3A_362 = vector.broadcast %lt3A_361 : i32 to vector<16xi32>
      %lt3A_363 = arith.cmpi slt, %get3A_346, %lt3A_362 : vector<16xi32>
      %and3A_364 = arith.andi %ge3A_360, %lt3A_363 : vector<16xi1>
      %sub3A_365 = arith.constant 560 : i32
      %sub3A_366 = vector.broadcast %sub3A_365 : i32 to vector<16xi32>
      %sub3A_367 = arith.subi %get3A_346, %sub3A_366 : vector<16xi32>
      %jit3A_368 = arith.constant 0 : i32
      %broadcast_in_dim3A_369 = vector.broadcast %jit3A_368 : i32 to vector<16xi32>
      %select_n3A_370 = arith.select %and3A_364, %sub3A_367, %broadcast_in_dim3A_369 : vector<16xi1>, vector<16xi32>
      tpu.vector_store_idx %arg6[%select_n3A_370, %add3A_350], %broadcast_in_dim3A_5 masked %and3A_364 : memref<80x512xf32, #tpu.memory_space<vmem>>[vector<16xi32>, vector<16xi32>], vector<16xf32>, vector<16xi1>
    }
    %scan3A_177 = arith.constant 32 : i32
    %dma_start3A_178 = arith.constant 0 : i32
    %dma_start3A_179 = arith.constant 0 : i32
    %dma_start3A_180 = tpu.memref_slice %arg6[%dma_start3A_178, %dma_start3A_179] : memref<80x512xf32, #tpu.memory_space<vmem>> -> memref<80x512xf32, #tpu.memory_space<vmem>>
    %dma_start3A_181 = arith.constant 560 : i32
    %dma_start3A_182 = tpu.memref_slice %arg3[%dma_start3A_181, %mul3A_2] : memref<1000x16384xf32, #tpu.memory_space<hbm>> -> memref<80x512xf32, #tpu.memory_space<hbm>>
    %dma_start3A_183 = arith.constant 560 : i32
    %dma_start3A_184 = tpu.memref_slice %arg3[%dma_start3A_183, %mul3A_2] : memref<1000x16384xf32, #tpu.memory_space<hbm>> -> memref<80x512xf32, #tpu.memory_space<hbm>>
    %dma_start3A_185 = arith.constant 0 : i32
    %dma_start3A_186 = arith.constant 0 : i32
    %dma_start3A_187 = tpu.memref_slice %arg6[%dma_start3A_185, %dma_start3A_186] : memref<80x512xf32, #tpu.memory_space<vmem>> -> memref<80x512xf32, #tpu.memory_space<vmem>>
    tpu.enqueue_dma source(%dma_start3A_187 : memref<80x512xf32, #tpu.memory_space<vmem>>) target(%dma_start3A_184 : memref<80x512xf32, #tpu.memory_space<hbm>>) target_semaphore(%arg9 : memref<!tpu.dma_semaphore, #tpu.memory_space<semaphore_mem>>)
    %dma_wait3A_188 = arith.constant 0 : i32
    %dma_wait3A_189 = arith.constant 0 : i32
    %dma_wait3A_190 = tpu.memref_slice %arg7[%dma_wait3A_188, %dma_wait3A_189] : memref<80x512xf32, #tpu.memory_space<vmem>> -> memref<80x512xf32, #tpu.memory_space<vmem>>
    %dma_wait3A_191 = arith.constant 400 : i32
    %dma_wait3A_192 = tpu.memref_slice %arg3[%dma_wait3A_191, %mul3A_2] : memref<1000x16384xf32, #tpu.memory_space<hbm>> -> memref<80x512xf32, #tpu.memory_space<hbm>>
    %dma_wait3A_193 = arith.constant 400 : i32
    %dma_wait3A_194 = tpu.memref_slice %arg3[%dma_wait3A_193, %mul3A_2] : memref<1000x16384xf32, #tpu.memory_space<hbm>> -> memref<80x512xf32, #tpu.memory_space<hbm>>
    %dma_wait3A_195 = arith.constant 0 : i32
    %dma_wait3A_196 = arith.constant 0 : i32
    %dma_wait3A_197 = tpu.memref_slice %arg7[%dma_wait3A_195, %dma_wait3A_196] : memref<80x512xf32, #tpu.memory_space<vmem>> -> memref<80x512xf32, #tpu.memory_space<vmem>>
    tpu.wait_dma2 semaphore(%arg10 : memref<!tpu.dma_semaphore, #tpu.memory_space<semaphore_mem>>) src(%dma_wait3A_197 : memref<80x512xf32, #tpu.memory_space<vmem>>) dst(%dma_wait3A_194 : memref<80x512xf32, #tpu.memory_space<hbm>>)
    %scan3A_198 = arith.constant 0 : i32
    %scan3A_199 = arith.constant 32 : i32
    %scan3A_200 = arith.addi %scan3A_198, %scan3A_199 : i32
    %scan3A_201 = arith.constant 1 : i32
    scf.for %scan3A_343 = %scan3A_198 to %scan3A_200 step %scan3A_201  : i32 {
      %mul3A_344 = arith.constant 16 : i32
      %mul3A_345 = arith.muli %scan3A_343, %mul3A_344 : i32
      %get3A = arith.index_cast %mul3A_345 : i32 to index
      %get3A_346 = tpu.vector_load %arg4[%get3A] {strides = array<i32>} : memref<512xi32, #tpu.memory_space<vmem>>, vector<16xi32>,
      %mul3A_347 = arith.constant 16 : i32
      %mul3A_348 = arith.muli %scan3A_343, %mul3A_347 : i32
      %add3A_349 = vector.broadcast %mul3A_348 : i32 to vector<16xi32>
      %add3A_350 = arith.addi %iota3A, %add3A_349 : vector<16xi32>
      %ge3A = arith.constant 400 : i32
      %ge3A_351 = vector.broadcast %ge3A : i32 to vector<16xi32>
      %ge3A_352 = arith.cmpi sge, %get3A_346, %ge3A_351 : vector<16xi32>
      %lt3A = arith.constant 480 : i32
      %lt3A_353 = vector.broadcast %lt3A : i32 to vector<16xi32>
      %lt3A_354 = arith.cmpi slt, %get3A_346, %lt3A_353 : vector<16xi32>
      %and3A = arith.andi %ge3A_352, %lt3A_354 : vector<16xi1>
      %sub3A = arith.constant 400 : i32
      %sub3A_355 = vector.broadcast %sub3A : i32 to vector<16xi32>
      %sub3A_356 = arith.subi %get3A_346, %sub3A_355 : vector<16xi32>
      %jit3A = arith.constant 0 : i32
      %broadcast_in_dim3A_357 = vector.broadcast %jit3A : i32 to vector<16xi32>
      %select_n3A = arith.select %and3A, %sub3A_356, %broadcast_in_dim3A_357 : vector<16xi1>, vector<16xi32>
      tpu.vector_store_idx %arg7[%select_n3A, %add3A_350], %broadcast_in_dim3A_3 masked %and3A : memref<80x512xf32, #tpu.memory_space<vmem>>[vector<16xi32>, vector<16xi32>], vector<16xf32>, vector<16xi1>
      %ge3A_358 = arith.constant 640 : i32
      %ge3A_359 = vector.broadcast %ge3A_358 : i32 to vector<16xi32>
      %ge3A_360 = arith.cmpi sge, %get3A_346, %ge3A_359 : vector<16xi32>
      %lt3A_361 = arith.constant 720 : i32
      %lt3A_362 = vector.broadcast %lt3A_361 : i32 to vector<16xi32>
      %lt3A_363 = arith.cmpi slt, %get3A_346, %lt3A_362 : vector<16xi32>
      %and3A_364 = arith.andi %ge3A_360, %lt3A_363 : vector<16xi1>
      %sub3A_365 = arith.constant 640 : i32
      %sub3A_366 = vector.broadcast %sub3A_365 : i32 to vector<16xi32>
      %sub3A_367 = arith.subi %get3A_346, %sub3A_366 : vector<16xi32>
      %jit3A_368 = arith.constant 0 : i32
      %broadcast_in_dim3A_369 = vector.broadcast %jit3A_368 : i32 to vector<16xi32>
      %select_n3A_370 = arith.select %and3A_364, %sub3A_367, %broadcast_in_dim3A_369 : vector<16xi1>, vector<16xi32>
      tpu.vector_store_idx %arg7[%select_n3A_370, %add3A_350], %broadcast_in_dim3A_5 masked %and3A_364 : memref<80x512xf32, #tpu.memory_space<vmem>>[vector<16xi32>, vector<16xi32>], vector<16xf32>, vector<16xi1>
    }
    %scan3A_202 = arith.constant 32 : i32
    %dma_start3A_203 = arith.constant 0 : i32
    %dma_start3A_204 = arith.constant 0 : i32
    %dma_start3A_205 = tpu.memref_slice %arg7[%dma_start3A_203, %dma_start3A_204] : memref<80x512xf32, #tpu.memory_space<vmem>> -> memref<80x512xf32, #tpu.memory_space<vmem>>
    %dma_start3A_206 = arith.constant 640 : i32
    %dma_start3A_207 = tpu.memref_slice %arg3[%dma_start3A_206, %mul3A_2] : memref<1000x16384xf32, #tpu.memory_space<hbm>> -> memref<80x512xf32, #tpu.memory_space<hbm>>
    %dma_start3A_208 = arith.constant 640 : i32
    %dma_start3A_209 = tpu.memref_slice %arg3[%dma_start3A_208, %mul3A_2] : memref<1000x16384xf32, #tpu.memory_space<hbm>> -> memref<80x512xf32, #tpu.memory_space<hbm>>
    %dma_start3A_210 = arith.constant 0 : i32
    %dma_start3A_211 = arith.constant 0 : i32
    %dma_start3A_212 = tpu.memref_slice %arg7[%dma_start3A_210, %dma_start3A_211] : memref<80x512xf32, #tpu.memory_space<vmem>> -> memref<80x512xf32, #tpu.memory_space<vmem>>
    tpu.enqueue_dma source(%dma_start3A_212 : memref<80x512xf32, #tpu.memory_space<vmem>>) target(%dma_start3A_209 : memref<80x512xf32, #tpu.memory_space<hbm>>) target_semaphore(%arg10 : memref<!tpu.dma_semaphore, #tpu.memory_space<semaphore_mem>>)
    %dma_wait3A_213 = arith.constant 0 : i32
    %dma_wait3A_214 = arith.constant 0 : i32
    %dma_wait3A_215 = tpu.memref_slice %arg5[%dma_wait3A_213, %dma_wait3A_214] : memref<80x512xf32, #tpu.memory_space<vmem>> -> memref<80x512xf32, #tpu.memory_space<vmem>>
    %dma_wait3A_216 = arith.constant 480 : i32
    %dma_wait3A_217 = tpu.memref_slice %arg3[%dma_wait3A_216, %mul3A_2] : memref<1000x16384xf32, #tpu.memory_space<hbm>> -> memref<80x512xf32, #tpu.memory_space<hbm>>
    %dma_wait3A_218 = arith.constant 480 : i32
    %dma_wait3A_219 = tpu.memref_slice %arg3[%dma_wait3A_218, %mul3A_2] : memref<1000x16384xf32, #tpu.memory_space<hbm>> -> memref<80x512xf32, #tpu.memory_space<hbm>>
    %dma_wait3A_220 = arith.constant 0 : i32
    %dma_wait3A_221 = arith.constant 0 : i32
    %dma_wait3A_222 = tpu.memref_slice %arg5[%dma_wait3A_220, %dma_wait3A_221] : memref<80x512xf32, #tpu.memory_space<vmem>> -> memref<80x512xf32, #tpu.memory_space<vmem>>
    tpu.wait_dma2 semaphore(%arg8 : memref<!tpu.dma_semaphore, #tpu.memory_space<semaphore_mem>>) src(%dma_wait3A_222 : memref<80x512xf32, #tpu.memory_space<vmem>>) dst(%dma_wait3A_219 : memref<80x512xf32, #tpu.memory_space<hbm>>)
    %scan3A_223 = arith.constant 0 : i32
    %scan3A_224 = arith.constant 32 : i32
    %scan3A_225 = arith.addi %scan3A_223, %scan3A_224 : i32
    %scan3A_226 = arith.constant 1 : i32
    scf.for %scan3A_343 = %scan3A_223 to %scan3A_225 step %scan3A_226  : i32 {
      %mul3A_344 = arith.constant 16 : i32
      %mul3A_345 = arith.muli %scan3A_343, %mul3A_344 : i32
      %get3A = arith.index_cast %mul3A_345 : i32 to index
      %get3A_346 = tpu.vector_load %arg4[%get3A] {strides = array<i32>} : memref<512xi32, #tpu.memory_space<vmem>>, vector<16xi32>,
      %mul3A_347 = arith.constant 16 : i32
      %mul3A_348 = arith.muli %scan3A_343, %mul3A_347 : i32
      %add3A_349 = vector.broadcast %mul3A_348 : i32 to vector<16xi32>
      %add3A_350 = arith.addi %iota3A, %add3A_349 : vector<16xi32>
      %ge3A = arith.constant 480 : i32
      %ge3A_351 = vector.broadcast %ge3A : i32 to vector<16xi32>
      %ge3A_352 = arith.cmpi sge, %get3A_346, %ge3A_351 : vector<16xi32>
      %lt3A = arith.constant 560 : i32
      %lt3A_353 = vector.broadcast %lt3A : i32 to vector<16xi32>
      %lt3A_354 = arith.cmpi slt, %get3A_346, %lt3A_353 : vector<16xi32>
      %and3A = arith.andi %ge3A_352, %lt3A_354 : vector<16xi1>
      %sub3A = arith.constant 480 : i32
      %sub3A_355 = vector.broadcast %sub3A : i32 to vector<16xi32>
      %sub3A_356 = arith.subi %get3A_346, %sub3A_355 : vector<16xi32>
      %jit3A = arith.constant 0 : i32
      %broadcast_in_dim3A_357 = vector.broadcast %jit3A : i32 to vector<16xi32>
      %select_n3A = arith.select %and3A, %sub3A_356, %broadcast_in_dim3A_357 : vector<16xi1>, vector<16xi32>
      tpu.vector_store_idx %arg5[%select_n3A, %add3A_350], %broadcast_in_dim3A_3 masked %and3A : memref<80x512xf32, #tpu.memory_space<vmem>>[vector<16xi32>, vector<16xi32>], vector<16xf32>, vector<16xi1>
      %ge3A_358 = arith.constant 720 : i32
      %ge3A_359 = vector.broadcast %ge3A_358 : i32 to vector<16xi32>
      %ge3A_360 = arith.cmpi sge, %get3A_346, %ge3A_359 : vector<16xi32>
      %lt3A_361 = arith.constant 800 : i32
      %lt3A_362 = vector.broadcast %lt3A_361 : i32 to vector<16xi32>
      %lt3A_363 = arith.cmpi slt, %get3A_346, %lt3A_362 : vector<16xi32>
      %and3A_364 = arith.andi %ge3A_360, %lt3A_363 : vector<16xi1>
      %sub3A_365 = arith.constant 720 : i32
      %sub3A_366 = vector.broadcast %sub3A_365 : i32 to vector<16xi32>
      %sub3A_367 = arith.subi %get3A_346, %sub3A_366 : vector<16xi32>
      %jit3A_368 = arith.constant 0 : i32
      %broadcast_in_dim3A_369 = vector.broadcast %jit3A_368 : i32 to vector<16xi32>
      %select_n3A_370 = arith.select %and3A_364, %sub3A_367, %broadcast_in_dim3A_369 : vector<16xi1>, vector<16xi32>
      tpu.vector_store_idx %arg5[%select_n3A_370, %add3A_350], %broadcast_in_dim3A_5 masked %and3A_364 : memref<80x512xf32, #tpu.memory_space<vmem>>[vector<16xi32>, vector<16xi32>], vector<16xf32>, vector<16xi1>
    }
    %scan3A_227 = arith.constant 32 : i32
    %dma_start3A_228 = arith.constant 0 : i32
    %dma_start3A_229 = arith.constant 0 : i32
    %dma_start3A_230 = tpu.memref_slice %arg5[%dma_start3A_228, %dma_start3A_229] : memref<80x512xf32, #tpu.memory_space<vmem>> -> memref<80x512xf32, #tpu.memory_space<vmem>>
    %dma_start3A_231 = arith.constant 720 : i32
    %dma_start3A_232 = tpu.memref_slice %arg3[%dma_start3A_231, %mul3A_2] : memref<1000x16384xf32, #tpu.memory_space<hbm>> -> memref<80x512xf32, #tpu.memory_space<hbm>>
    %dma_start3A_233 = arith.constant 720 : i32
    %dma_start3A_234 = tpu.memref_slice %arg3[%dma_start3A_233, %mul3A_2] : memref<1000x16384xf32, #tpu.memory_space<hbm>> -> memref<80x512xf32, #tpu.memory_space<hbm>>
    %dma_start3A_235 = arith.constant 0 : i32
    %dma_start3A_236 = arith.constant 0 : i32
    %dma_start3A_237 = tpu.memref_slice %arg5[%dma_start3A_235, %dma_start3A_236] : memref<80x512xf32, #tpu.memory_space<vmem>> -> memref<80x512xf32, #tpu.memory_space<vmem>>
    tpu.enqueue_dma source(%dma_start3A_237 : memref<80x512xf32, #tpu.memory_space<vmem>>) target(%dma_start3A_234 : memref<80x512xf32, #tpu.memory_space<hbm>>) target_semaphore(%arg8 : memref<!tpu.dma_semaphore, #tpu.memory_space<semaphore_mem>>)
    %dma_wait3A_238 = arith.constant 0 : i32
    %dma_wait3A_239 = arith.constant 0 : i32
    %dma_wait3A_240 = tpu.memref_slice %arg6[%dma_wait3A_238, %dma_wait3A_239] : memref<80x512xf32, #tpu.memory_space<vmem>> -> memref<80x512xf32, #tpu.memory_space<vmem>>
    %dma_wait3A_241 = arith.constant 560 : i32
    %dma_wait3A_242 = tpu.memref_slice %arg3[%dma_wait3A_241, %mul3A_2] : memref<1000x16384xf32, #tpu.memory_space<hbm>> -> memref<80x512xf32, #tpu.memory_space<hbm>>
    %dma_wait3A_243 = arith.constant 560 : i32
    %dma_wait3A_244 = tpu.memref_slice %arg3[%dma_wait3A_243, %mul3A_2] : memref<1000x16384xf32, #tpu.memory_space<hbm>> -> memref<80x512xf32, #tpu.memory_space<hbm>>
    %dma_wait3A_245 = arith.constant 0 : i32
    %dma_wait3A_246 = arith.constant 0 : i32
    %dma_wait3A_247 = tpu.memref_slice %arg6[%dma_wait3A_245, %dma_wait3A_246] : memref<80x512xf32, #tpu.memory_space<vmem>> -> memref<80x512xf32, #tpu.memory_space<vmem>>
    tpu.wait_dma2 semaphore(%arg9 : memref<!tpu.dma_semaphore, #tpu.memory_space<semaphore_mem>>) src(%dma_wait3A_247 : memref<80x512xf32, #tpu.memory_space<vmem>>) dst(%dma_wait3A_244 : memref<80x512xf32, #tpu.memory_space<hbm>>)
    %scan3A_248 = arith.constant 0 : i32
    %scan3A_249 = arith.constant 32 : i32
    %scan3A_250 = arith.addi %scan3A_248, %scan3A_249 : i32
    %scan3A_251 = arith.constant 1 : i32
    scf.for %scan3A_343 = %scan3A_248 to %scan3A_250 step %scan3A_251  : i32 {
      %mul3A_344 = arith.constant 16 : i32
      %mul3A_345 = arith.muli %scan3A_343, %mul3A_344 : i32
      %get3A = arith.index_cast %mul3A_345 : i32 to index
      %get3A_346 = tpu.vector_load %arg4[%get3A] {strides = array<i32>} : memref<512xi32, #tpu.memory_space<vmem>>, vector<16xi32>,
      %mul3A_347 = arith.constant 16 : i32
      %mul3A_348 = arith.muli %scan3A_343, %mul3A_347 : i32
      %add3A_349 = vector.broadcast %mul3A_348 : i32 to vector<16xi32>
      %add3A_350 = arith.addi %iota3A, %add3A_349 : vector<16xi32>
      %ge3A = arith.constant 560 : i32
      %ge3A_351 = vector.broadcast %ge3A : i32 to vector<16xi32>
      %ge3A_352 = arith.cmpi sge, %get3A_346, %ge3A_351 : vector<16xi32>
      %lt3A = arith.constant 640 : i32
      %lt3A_353 = vector.broadcast %lt3A : i32 to vector<16xi32>
      %lt3A_354 = arith.cmpi slt, %get3A_346, %lt3A_353 : vector<16xi32>
      %and3A = arith.andi %ge3A_352, %lt3A_354 : vector<16xi1>
      %sub3A = arith.constant 560 : i32
      %sub3A_355 = vector.broadcast %sub3A : i32 to vector<16xi32>
      %sub3A_356 = arith.subi %get3A_346, %sub3A_355 : vector<16xi32>
      %jit3A = arith.constant 0 : i32
      %broadcast_in_dim3A_357 = vector.broadcast %jit3A : i32 to vector<16xi32>
      %select_n3A = arith.select %and3A, %sub3A_356, %broadcast_in_dim3A_357 : vector<16xi1>, vector<16xi32>
      tpu.vector_store_idx %arg6[%select_n3A, %add3A_350], %broadcast_in_dim3A_3 masked %and3A : memref<80x512xf32, #tpu.memory_space<vmem>>[vector<16xi32>, vector<16xi32>], vector<16xf32>, vector<16xi1>
      %ge3A_358 = arith.constant 800 : i32
      %ge3A_359 = vector.broadcast %ge3A_358 : i32 to vector<16xi32>
      %ge3A_360 = arith.cmpi sge, %get3A_346, %ge3A_359 : vector<16xi32>
      %lt3A_361 = arith.constant 880 : i32
      %lt3A_362 = vector.broadcast %lt3A_361 : i32 to vector<16xi32>
      %lt3A_363 = arith.cmpi slt, %get3A_346, %lt3A_362 : vector<16xi32>
      %and3A_364 = arith.andi %ge3A_360, %lt3A_363 : vector<16xi1>
      %sub3A_365 = arith.constant 800 : i32
      %sub3A_366 = vector.broadcast %sub3A_365 : i32 to vector<16xi32>
      %sub3A_367 = arith.subi %get3A_346, %sub3A_366 : vector<16xi32>
      %jit3A_368 = arith.constant 0 : i32
      %broadcast_in_dim3A_369 = vector.broadcast %jit3A_368 : i32 to vector<16xi32>
      %select_n3A_370 = arith.select %and3A_364, %sub3A_367, %broadcast_in_dim3A_369 : vector<16xi1>, vector<16xi32>
      tpu.vector_store_idx %arg6[%select_n3A_370, %add3A_350], %broadcast_in_dim3A_5 masked %and3A_364 : memref<80x512xf32, #tpu.memory_space<vmem>>[vector<16xi32>, vector<16xi32>], vector<16xf32>, vector<16xi1>
    }
    %scan3A_252 = arith.constant 32 : i32
    %dma_start3A_253 = arith.constant 0 : i32
    %dma_start3A_254 = arith.constant 0 : i32
    %dma_start3A_255 = tpu.memref_slice %arg6[%dma_start3A_253, %dma_start3A_254] : memref<80x512xf32, #tpu.memory_space<vmem>> -> memref<80x512xf32, #tpu.memory_space<vmem>>
    %dma_start3A_256 = arith.constant 800 : i32
    %dma_start3A_257 = tpu.memref_slice %arg3[%dma_start3A_256, %mul3A_2] : memref<1000x16384xf32, #tpu.memory_space<hbm>> -> memref<80x512xf32, #tpu.memory_space<hbm>>
    %dma_start3A_258 = arith.constant 800 : i32
    %dma_start3A_259 = tpu.memref_slice %arg3[%dma_start3A_258, %mul3A_2] : memref<1000x16384xf32, #tpu.memory_space<hbm>> -> memref<80x512xf32, #tpu.memory_space<hbm>>
    %dma_start3A_260 = arith.constant 0 : i32
    %dma_start3A_261 = arith.constant 0 : i32
    %dma_start3A_262 = tpu.memref_slice %arg6[%dma_start3A_260, %dma_start3A_261] : memref<80x512xf32, #tpu.memory_space<vmem>> -> memref<80x512xf32, #tpu.memory_space<vmem>>
    tpu.enqueue_dma source(%dma_start3A_262 : memref<80x512xf32, #tpu.memory_space<vmem>>) target(%dma_start3A_259 : memref<80x512xf32, #tpu.memory_space<hbm>>) target_semaphore(%arg9 : memref<!tpu.dma_semaphore, #tpu.memory_space<semaphore_mem>>)
    %dma_wait3A_263 = arith.constant 0 : i32
    %dma_wait3A_264 = arith.constant 0 : i32
    %dma_wait3A_265 = tpu.memref_slice %arg7[%dma_wait3A_263, %dma_wait3A_264] : memref<80x512xf32, #tpu.memory_space<vmem>> -> memref<80x512xf32, #tpu.memory_space<vmem>>
    %dma_wait3A_266 = arith.constant 640 : i32
    %dma_wait3A_267 = tpu.memref_slice %arg3[%dma_wait3A_266, %mul3A_2] : memref<1000x16384xf32, #tpu.memory_space<hbm>> -> memref<80x512xf32, #tpu.memory_space<hbm>>
    %dma_wait3A_268 = arith.constant 640 : i32
    %dma_wait3A_269 = tpu.memref_slice %arg3[%dma_wait3A_268, %mul3A_2] : memref<1000x16384xf32, #tpu.memory_space<hbm>> -> memref<80x512xf32, #tpu.memory_space<hbm>>
    %dma_wait3A_270 = arith.constant 0 : i32
    %dma_wait3A_271 = arith.constant 0 : i32
    %dma_wait3A_272 = tpu.memref_slice %arg7[%dma_wait3A_270, %dma_wait3A_271] : memref<80x512xf32, #tpu.memory_space<vmem>> -> memref<80x512xf32, #tpu.memory_space<vmem>>
    tpu.wait_dma2 semaphore(%arg10 : memref<!tpu.dma_semaphore, #tpu.memory_space<semaphore_mem>>) src(%dma_wait3A_272 : memref<80x512xf32, #tpu.memory_space<vmem>>) dst(%dma_wait3A_269 : memref<80x512xf32, #tpu.memory_space<hbm>>)
    %scan3A_273 = arith.constant 0 : i32
    %scan3A_274 = arith.constant 32 : i32
    %scan3A_275 = arith.addi %scan3A_273, %scan3A_274 : i32
    %scan3A_276 = arith.constant 1 : i32
    scf.for %scan3A_343 = %scan3A_273 to %scan3A_275 step %scan3A_276  : i32 {
      %mul3A_344 = arith.constant 16 : i32
      %mul3A_345 = arith.muli %scan3A_343, %mul3A_344 : i32
      %get3A = arith.index_cast %mul3A_345 : i32 to index
      %get3A_346 = tpu.vector_load %arg4[%get3A] {strides = array<i32>} : memref<512xi32, #tpu.memory_space<vmem>>, vector<16xi32>,
      %mul3A_347 = arith.constant 16 : i32
      %mul3A_348 = arith.muli %scan3A_343, %mul3A_347 : i32
      %add3A_349 = vector.broadcast %mul3A_348 : i32 to vector<16xi32>
      %add3A_350 = arith.addi %iota3A, %add3A_349 : vector<16xi32>
      %ge3A = arith.constant 640 : i32
      %ge3A_351 = vector.broadcast %ge3A : i32 to vector<16xi32>
      %ge3A_352 = arith.cmpi sge, %get3A_346, %ge3A_351 : vector<16xi32>
      %lt3A = arith.constant 720 : i32
      %lt3A_353 = vector.broadcast %lt3A : i32 to vector<16xi32>
      %lt3A_354 = arith.cmpi slt, %get3A_346, %lt3A_353 : vector<16xi32>
      %and3A = arith.andi %ge3A_352, %lt3A_354 : vector<16xi1>
      %sub3A = arith.constant 640 : i32
      %sub3A_355 = vector.broadcast %sub3A : i32 to vector<16xi32>
      %sub3A_356 = arith.subi %get3A_346, %sub3A_355 : vector<16xi32>
      %jit3A = arith.constant 0 : i32
      %broadcast_in_dim3A_357 = vector.broadcast %jit3A : i32 to vector<16xi32>
      %select_n3A = arith.select %and3A, %sub3A_356, %broadcast_in_dim3A_357 : vector<16xi1>, vector<16xi32>
      tpu.vector_store_idx %arg7[%select_n3A, %add3A_350], %broadcast_in_dim3A_3 masked %and3A : memref<80x512xf32, #tpu.memory_space<vmem>>[vector<16xi32>, vector<16xi32>], vector<16xf32>, vector<16xi1>
      %ge3A_358 = arith.constant 880 : i32
      %ge3A_359 = vector.broadcast %ge3A_358 : i32 to vector<16xi32>
      %ge3A_360 = arith.cmpi sge, %get3A_346, %ge3A_359 : vector<16xi32>
      %lt3A_361 = arith.constant 960 : i32
      %lt3A_362 = vector.broadcast %lt3A_361 : i32 to vector<16xi32>
      %lt3A_363 = arith.cmpi slt, %get3A_346, %lt3A_362 : vector<16xi32>
      %and3A_364 = arith.andi %ge3A_360, %lt3A_363 : vector<16xi1>
      %sub3A_365 = arith.constant 880 : i32
      %sub3A_366 = vector.broadcast %sub3A_365 : i32 to vector<16xi32>
      %sub3A_367 = arith.subi %get3A_346, %sub3A_366 : vector<16xi32>
      %jit3A_368 = arith.constant 0 : i32
      %broadcast_in_dim3A_369 = vector.broadcast %jit3A_368 : i32 to vector<16xi32>
      %select_n3A_370 = arith.select %and3A_364, %sub3A_367, %broadcast_in_dim3A_369 : vector<16xi1>, vector<16xi32>
      tpu.vector_store_idx %arg7[%select_n3A_370, %add3A_350], %broadcast_in_dim3A_5 masked %and3A_364 : memref<80x512xf32, #tpu.memory_space<vmem>>[vector<16xi32>, vector<16xi32>], vector<16xf32>, vector<16xi1>
    }
    %scan3A_277 = arith.constant 32 : i32
    %dma_start3A_278 = arith.constant 0 : i32
    %dma_start3A_279 = arith.constant 0 : i32
    %dma_start3A_280 = tpu.memref_slice %arg7[%dma_start3A_278, %dma_start3A_279] : memref<80x512xf32, #tpu.memory_space<vmem>> -> memref<80x512xf32, #tpu.memory_space<vmem>>
    %dma_start3A_281 = arith.constant 880 : i32
    %dma_start3A_282 = tpu.memref_slice %arg3[%dma_start3A_281, %mul3A_2] : memref<1000x16384xf32, #tpu.memory_space<hbm>> -> memref<80x512xf32, #tpu.memory_space<hbm>>
    %dma_start3A_283 = arith.constant 880 : i32
    %dma_start3A_284 = tpu.memref_slice %arg3[%dma_start3A_283, %mul3A_2] : memref<1000x16384xf32, #tpu.memory_space<hbm>> -> memref<80x512xf32, #tpu.memory_space<hbm>>
    %dma_start3A_285 = arith.constant 0 : i32
    %dma_start3A_286 = arith.constant 0 : i32
    %dma_start3A_287 = tpu.memref_slice %arg7[%dma_start3A_285, %dma_start3A_286] : memref<80x512xf32, #tpu.memory_space<vmem>> -> memref<80x512xf32, #tpu.memory_space<vmem>>
    tpu.enqueue_dma source(%dma_start3A_287 : memref<80x512xf32, #tpu.memory_space<vmem>>) target(%dma_start3A_284 : memref<80x512xf32, #tpu.memory_space<hbm>>) target_semaphore(%arg10 : memref<!tpu.dma_semaphore, #tpu.memory_space<semaphore_mem>>)
    %dma_wait3A_288 = arith.constant 0 : i32
    %dma_wait3A_289 = arith.constant 0 : i32
    %dma_wait3A_290 = tpu.memref_slice %arg5[%dma_wait3A_288, %dma_wait3A_289] : memref<80x512xf32, #tpu.memory_space<vmem>> -> memref<80x512xf32, #tpu.memory_space<vmem>>
    %dma_wait3A_291 = arith.constant 720 : i32
    %dma_wait3A_292 = tpu.memref_slice %arg3[%dma_wait3A_291, %mul3A_2] : memref<1000x16384xf32, #tpu.memory_space<hbm>> -> memref<80x512xf32, #tpu.memory_space<hbm>>
    %dma_wait3A_293 = arith.constant 720 : i32
    %dma_wait3A_294 = tpu.memref_slice %arg3[%dma_wait3A_293, %mul3A_2] : memref<1000x16384xf32, #tpu.memory_space<hbm>> -> memref<80x512xf32, #tpu.memory_space<hbm>>
    %dma_wait3A_295 = arith.constant 0 : i32
    %dma_wait3A_296 = arith.constant 0 : i32
    %dma_wait3A_297 = tpu.memref_slice %arg5[%dma_wait3A_295, %dma_wait3A_296] : memref<80x512xf32, #tpu.memory_space<vmem>> -> memref<80x512xf32, #tpu.memory_space<vmem>>
    tpu.wait_dma2 semaphore(%arg8 : memref<!tpu.dma_semaphore, #tpu.memory_space<semaphore_mem>>) src(%dma_wait3A_297 : memref<80x512xf32, #tpu.memory_space<vmem>>) dst(%dma_wait3A_294 : memref<80x512xf32, #tpu.memory_space<hbm>>)
    %scan3A_298 = arith.constant 0 : i32
    %scan3A_299 = arith.constant 32 : i32
    %scan3A_300 = arith.addi %scan3A_298, %scan3A_299 : i32
    %scan3A_301 = arith.constant 1 : i32
    scf.for %scan3A_343 = %scan3A_298 to %scan3A_300 step %scan3A_301  : i32 {
      %mul3A_344 = arith.constant 16 : i32
      %mul3A_345 = arith.muli %scan3A_343, %mul3A_344 : i32
      %get3A = arith.index_cast %mul3A_345 : i32 to index
      %get3A_346 = tpu.vector_load %arg4[%get3A] {strides = array<i32>} : memref<512xi32, #tpu.memory_space<vmem>>, vector<16xi32>,
      %mul3A_347 = arith.constant 16 : i32
      %mul3A_348 = arith.muli %scan3A_343, %mul3A_347 : i32
      %add3A_349 = vector.broadcast %mul3A_348 : i32 to vector<16xi32>
      %add3A_350 = arith.addi %iota3A, %add3A_349 : vector<16xi32>
      %ge3A = arith.constant 720 : i32
      %ge3A_351 = vector.broadcast %ge3A : i32 to vector<16xi32>
      %ge3A_352 = arith.cmpi sge, %get3A_346, %ge3A_351 : vector<16xi32>
      %lt3A = arith.constant 800 : i32
      %lt3A_353 = vector.broadcast %lt3A : i32 to vector<16xi32>
      %lt3A_354 = arith.cmpi slt, %get3A_346, %lt3A_353 : vector<16xi32>
      %and3A = arith.andi %ge3A_352, %lt3A_354 : vector<16xi1>
      %sub3A = arith.constant 720 : i32
      %sub3A_355 = vector.broadcast %sub3A : i32 to vector<16xi32>
      %sub3A_356 = arith.subi %get3A_346, %sub3A_355 : vector<16xi32>
      %jit3A = arith.constant 0 : i32
      %broadcast_in_dim3A_357 = vector.broadcast %jit3A : i32 to vector<16xi32>
      %select_n3A = arith.select %and3A, %sub3A_356, %broadcast_in_dim3A_357 : vector<16xi1>, vector<16xi32>
      tpu.vector_store_idx %arg5[%select_n3A, %add3A_350], %broadcast_in_dim3A_3 masked %and3A : memref<80x512xf32, #tpu.memory_space<vmem>>[vector<16xi32>, vector<16xi32>], vector<16xf32>, vector<16xi1>
      %ge3A_358 = arith.constant 960 : i32
      %ge3A_359 = vector.broadcast %ge3A_358 : i32 to vector<16xi32>
      %ge3A_360 = arith.cmpi sge, %get3A_346, %ge3A_359 : vector<16xi32>
      %lt3A_361 = arith.constant 1000 : i32
      %lt3A_362 = vector.broadcast %lt3A_361 : i32 to vector<16xi32>
      %lt3A_363 = arith.cmpi slt, %get3A_346, %lt3A_362 : vector<16xi32>
      %and3A_364 = arith.andi %ge3A_360, %lt3A_363 : vector<16xi1>
      %sub3A_365 = arith.constant 960 : i32
      %sub3A_366 = vector.broadcast %sub3A_365 : i32 to vector<16xi32>
      %sub3A_367 = arith.subi %get3A_346, %sub3A_366 : vector<16xi32>
      %jit3A_368 = arith.constant 0 : i32
      %broadcast_in_dim3A_369 = vector.broadcast %jit3A_368 : i32 to vector<16xi32>
      %select_n3A_370 = arith.select %and3A_364, %sub3A_367, %broadcast_in_dim3A_369 : vector<16xi1>, vector<16xi32>
      tpu.vector_store_idx %arg5[%select_n3A_370, %add3A_350], %broadcast_in_dim3A_5 masked %and3A_364 : memref<80x512xf32, #tpu.memory_space<vmem>>[vector<16xi32>, vector<16xi32>], vector<16xf32>, vector<16xi1>
    }
    %scan3A_302 = arith.constant 32 : i32
    %dma_start3A_303 = arith.constant 0 : i32
    %dma_start3A_304 = arith.constant 0 : i32
    %dma_start3A_305 = tpu.memref_slice %arg5[%dma_start3A_303, %dma_start3A_304] : memref<80x512xf32, #tpu.memory_space<vmem>> -> memref<40x512xf32, #tpu.memory_space<vmem>>
    %dma_start3A_306 = arith.constant 960 : i32
    %dma_start3A_307 = tpu.memref_slice %arg3[%dma_start3A_306, %mul3A_2] : memref<1000x16384xf32, #tpu.memory_space<hbm>> -> memref<40x512xf32, #tpu.memory_space<hbm>>
    %dma_start3A_308 = arith.constant 960 : i32
    %dma_start3A_309 = tpu.memref_slice %arg3[%dma_start3A_308, %mul3A_2] : memref<1000x16384xf32, #tpu.memory_space<hbm>> -> memref<40x512xf32, #tpu.memory_space<hbm>>
    %dma_start3A_310 = arith.constant 0 : i32
    %dma_start3A_311 = arith.constant 0 : i32
    %dma_start3A_312 = tpu.memref_slice %arg5[%dma_start3A_310, %dma_start3A_311] : memref<80x512xf32, #tpu.memory_space<vmem>> -> memref<40x512xf32, #tpu.memory_space<vmem>>
    tpu.enqueue_dma source(%dma_start3A_312 : memref<40x512xf32, #tpu.memory_space<vmem>>) target(%dma_start3A_309 : memref<40x512xf32, #tpu.memory_space<hbm>>) target_semaphore(%arg8 : memref<!tpu.dma_semaphore, #tpu.memory_space<semaphore_mem>>)
    %dma_wait3A_313 = arith.constant 0 : i32
    %dma_wait3A_314 = arith.constant 0 : i32
    %dma_wait3A_315 = tpu.memref_slice %arg5[%dma_wait3A_313, %dma_wait3A_314] : memref<80x512xf32, #tpu.memory_space<vmem>> -> memref<40x512xf32, #tpu.memory_space<vmem>>
    %dma_wait3A_316 = arith.constant 960 : i32
    %dma_wait3A_317 = tpu.memref_slice %arg3[%dma_wait3A_316, %mul3A_2] : memref<1000x16384xf32, #tpu.memory_space<hbm>> -> memref<40x512xf32, #tpu.memory_space<hbm>>
    %dma_wait3A_318 = arith.constant 960 : i32
    %dma_wait3A_319 = tpu.memref_slice %arg3[%dma_wait3A_318, %mul3A_2] : memref<1000x16384xf32, #tpu.memory_space<hbm>> -> memref<40x512xf32, #tpu.memory_space<hbm>>
    %dma_wait3A_320 = arith.constant 0 : i32
    %dma_wait3A_321 = arith.constant 0 : i32
    %dma_wait3A_322 = tpu.memref_slice %arg5[%dma_wait3A_320, %dma_wait3A_321] : memref<80x512xf32, #tpu.memory_space<vmem>> -> memref<40x512xf32, #tpu.memory_space<vmem>>
    tpu.wait_dma2 semaphore(%arg8 : memref<!tpu.dma_semaphore, #tpu.memory_space<semaphore_mem>>) src(%dma_wait3A_322 : memref<40x512xf32, #tpu.memory_space<vmem>>) dst(%dma_wait3A_319 : memref<40x512xf32, #tpu.memory_space<hbm>>)
    %dma_wait3A_323 = arith.constant 0 : i32
    %dma_wait3A_324 = arith.constant 0 : i32
    %dma_wait3A_325 = tpu.memref_slice %arg6[%dma_wait3A_323, %dma_wait3A_324] : memref<80x512xf32, #tpu.memory_space<vmem>> -> memref<80x512xf32, #tpu.memory_space<vmem>>
    %dma_wait3A_326 = arith.constant 800 : i32
    %dma_wait3A_327 = tpu.memref_slice %arg3[%dma_wait3A_326, %mul3A_2] : memref<1000x16384xf32, #tpu.memory_space<hbm>> -> memref<80x512xf32, #tpu.memory_space<hbm>>
    %dma_wait3A_328 = arith.constant 800 : i32
    %dma_wait3A_329 = tpu.memref_slice %arg3[%dma_wait3A_328, %mul3A_2] : memref<1000x16384xf32, #tpu.memory_space<hbm>> -> memref<80x512xf32, #tpu.memory_space<hbm>>
    %dma_wait3A_330 = arith.constant 0 : i32
    %dma_wait3A_331 = arith.constant 0 : i32
    %dma_wait3A_332 = tpu.memref_slice %arg6[%dma_wait3A_330, %dma_wait3A_331] : memref<80x512xf32, #tpu.memory_space<vmem>> -> memref<80x512xf32, #tpu.memory_space<vmem>>
    tpu.wait_dma2 semaphore(%arg9 : memref<!tpu.dma_semaphore, #tpu.memory_space<semaphore_mem>>) src(%dma_wait3A_332 : memref<80x512xf32, #tpu.memory_space<vmem>>) dst(%dma_wait3A_329 : memref<80x512xf32, #tpu.memory_space<hbm>>)
    %dma_wait3A_333 = arith.constant 0 : i32
    %dma_wait3A_334 = arith.constant 0 : i32
    %dma_wait3A_335 = tpu.memref_slice %arg7[%dma_wait3A_333, %dma_wait3A_334] : memref<80x512xf32, #tpu.memory_space<vmem>> -> memref<80x512xf32, #tpu.memory_space<vmem>>
    %dma_wait3A_336 = arith.constant 880 : i32
    %dma_wait3A_337 = tpu.memref_slice %arg3[%dma_wait3A_336, %mul3A_2] : memref<1000x16384xf32, #tpu.memory_space<hbm>> -> memref<80x512xf32, #tpu.memory_space<hbm>>
    %dma_wait3A_338 = arith.constant 880 : i32
    %dma_wait3A_339 = tpu.memref_slice %arg3[%dma_wait3A_338, %mul3A_2] : memref<1000x16384xf32, #tpu.memory_space<hbm>> -> memref<80x512xf32, #tpu.memory_space<hbm>>
    %dma_wait3A_340 = arith.constant 0 : i32
    %dma_wait3A_341 = arith.constant 0 : i32
    %dma_wait3A_342 = tpu.memref_slice %arg7[%dma_wait3A_340, %dma_wait3A_341] : memref<80x512xf32, #tpu.memory_space<vmem>> -> memref<80x512xf32, #tpu.memory_space<vmem>>
    tpu.wait_dma2 semaphore(%arg10 : memref<!tpu.dma_semaphore, #tpu.memory_space<semaphore_mem>>) src(%dma_wait3A_342 : memref<80x512xf32, #tpu.memory_space<vmem>>) dst(%dma_wait3A_339 : memref<80x512xf32, #tpu.memory_space<hbm>>)
    return
  }
}

</mosaic_0001>

<sc_bundles>
// kernel: kernel.3.cloned.1.call-start
scs
__scs_entry_jumppad:
0x0: {  	(pc) =	sbr.rel $0x88, $3  }
0x1: {  	(tag) =	ssettag $0x0;
	lr =	simm.s32 $0x1  }
0x2: {  	[smem:$0x3FA0] =	sst lr;
	_ =	strace $0xD0000000  }
0x3: {  	_ = 	snop  }
0x4: {  	_ = 	snop  }
0x5: {  	_ = 	snop  }
0x6: {  	_ = 	snop  }
0x7: {  	_ = 	snop  }
__scs_overlays_trampoline_lowered:
0x8: {  	[smem:$0x3FAF] =	sst s0  }
0x9: {  	[smem:$0x3FB0] =	sst s1  }
0xa: {  	[smem:$0x3FB1] =	sst s2  }
0xb: {  	[smem:$0x3FB2] =	sst s3  }
0xc: {  	[smem:$0x3FB3] =	sst s4  }
0xd: {  	[smem:$0x3FB4] =	sst s5  }
0xe: {  	[smem:$0x3FB5] =	sst s6  }
0xf: {  	[smem:$0x3FB6] =	sst s7  }
0x10: {  	[smem:$0x3FB7] =	sst s8  }
0x11: {  	[smem:$0x3FB8] =	sst s9;
	s0 =	simm.s32 @!p0 $0x0  }
0x12: {  	s1 =	sld [smem:$0x3F9E];
	s0 =	simm.s32 @p0 $0x1  }
0x13: {  	[smem:$0x3FB9] =	sst s0;
	s0 =	simm.s32 @!p1 $0x0  }
0x14: {  	s2 =	sld [smem:$0x3F9D];
	s0 =	simm.s32 @p1 $0x1  }
0x15: {  	[smem:$0x3FBA] =	sst s0;
	s0 =	simm.s32 @!p2 $0x0  }
0x16: {  	s3 =	sld [smem:$0x3FDB];
	s0 =	simm.s32 @p2 $0x1  }
0x17: {  	s4 =	simm.s32 $0x1BF5;
	[smem:$0x3FBC] =	sst s0  }
0x18: {  	s0 =	sld [smem:$0x3F9F];
	_ =	swait.ge [sflag:s4], $0x0  }
0x19: {  	s7 =	sld [smem:$0x3FA0]  }
0x1a: {  	s8 =	sadd.s32 $0xFFFFE003, lr  }
0x1b: {  	s9 =	sadd.s32 $0xFFFFFEF7, lr;
	s5 =	simm.s32 $0xFFFFFFFF;
	p2 =	slt.u32 s8, $0xFFFFF086  }
0x1c: {  	p1 =	slt.u32 s9, $0xF7A;
	s5 =	simm.s32 @!p2 $0x0  }
0x1d: {  	s5 =	simm.s32 @p1 $0x1;
	p0 =	seq.s32 s7, s2  }
0x1e: {  	s7 =	smul.u32 @!p0 $0xF7A, s2;
	p2 =	seq.s32 @!p0 s5, $0x0  }
0x1f: {  	s9 =	smul.u32 $0xF7A, s1;
	s8 =	simm.s32 @!p0 $0x1BF5;
	p2 =	por !p2, p0  }
0x20: {  	[sflag:s8] =	ssyncset.s32 @!p0 $0xFFFFF086;
	s6 =	sadd.s32 @!p0 s3, s7;
	s7 =	simm.s32 @!p0 $0x108  }
0x21: {  	s3 =	sadd.s32 s3, s9;
	s6 =	sadd.s32 @!p0 $0x88, s6;
	s7 =	simm.s32 @p2 $0x1082  }
0x22: {  	[simem:s7], [sflag:s8] =	dma.local @!p0 [hbm:s6], $0xF7A  }
0x23: {  	s9 =	sor.u32 $0xD0000000, s2;
	s6 =	simm.s32 $0x108;
	_ =	swait.ge @!p0 [sflag:s8], $0x0  }
0x24: {  	s3 =	sadd.s32 $0x88, s3;
	s6 =	simm.s32 @!p1 $0x1082;
	[sflag:s4] =	ssyncset.s32 $0xFFFFF086  }
0x25: {  	[simem:s6], [sflag:s4] =	dma.local [hbm:s3], $0xF7A  }
0x26: {  	[smem:$0x3FA0] =	sst s1;
	(tag) =	ssettag s2;
	_ =	strace s9  }
0x27: {  	s1 =	sld [smem:$0x3FB0]  }
0x28: {  	s2 =	sld [smem:$0x3FB1]  }
0x29: {  	s4 =	sld [smem:$0x3FB3]  }
0x2a: {  	p0 =	seq.s32 s5, $0x0;
	s5 =	sld [smem:$0x3FB4]  }
0x2b: {  	s6 =	sld [smem:$0x3FB5]  }
0x2c: {  	s7 =	sld [smem:$0x3FB6]  }
0x2d: {  	s3 =	simm.s32 $0x108;
	s8 =	sld [smem:$0x3FB7]  }
0x2e: {  	s3 =	simm.s32 @!p0 $0x1082;
	s9 =	sld [smem:$0x3FB8]  }
0x2f: {  	lr =	sadd.s32 s0, s3;
	s0 =	sld [smem:$0x3FAF]  }
0x30: {  	s3 =	sld [smem:$0x3FB2]  }
0x31: {  	[smem:$0x3FBB] =	sst s10  }
0x32: {  	s10 =	sld [smem:$0x3FB9];
	_ =	sdelay $0x3  }
0x33: {  	p0 =	seq.s32 s10, $0x1;
	s10 =	sld [smem:$0x3FBB];
	_ =	sdelay $0x3  }
0x34: {  	[smem:$0x3FBB] =	sst s10  }
0x35: {  	s10 =	sld [smem:$0x3FBA];
	_ =	sdelay $0x3  }
0x36: {  	p1 =	seq.s32 s10, $0x1;
	s10 =	sld [smem:$0x3FBB];
	_ =	sdelay $0x3  }
0x37: {  	[smem:$0x3FBB] =	sst s10  }
0x38: {  	s10 =	sld [smem:$0x3FBC]  }
0x39: {  	_ = 	snop;
	(pc) =	sbr.ind lr, $3  }
0x3a: {  	_ = 	snop  }
0x3b: {  	_ = 	snop  }
0x3c: {  	p2 =	seq.s32 s10, $0x1;
	s10 =	sld [smem:$0x3FBB]  }
0x3d: {  	_ =	shalt  }
0x3e: {  	_ =	shalt  }
0x3f: {  	_ =	shalt  }
0x40: {  	_ =	shalt  }
0x41: {  	_ =	shalt  }
0x42: {  	_ =	shalt  }
0x43: {  	_ =	shalt  }
0x44: {  	_ =	shalt  }
0x45: {  	_ =	shalt  }
0x46: {  	_ =	shalt  }
0x47: {  	_ =	shalt  }
0x48: {  	_ =	shalt  }
0x49: {  	_ =	shalt  }
0x4a: {  	_ =	shalt  }
0x4b: {  	_ =	shalt  }
0x4c: {  	_ =	shalt  }
0x4d: {  	_ =	shalt  }
0x4e: {  	_ =	shalt  }
0x4f: {  	_ =	shalt  }
0x50: {  	_ =	shalt  }
0x51: {  	_ =	shalt  }
0x52: {  	_ =	shalt  }
0x53: {  	_ =	shalt  }
0x54: {  	_ =	shalt  }
0x55: {  	_ =	shalt  }
0x56: {  	_ =	shalt  }
0x57: {  	_ =	shalt  }
0x58: {  	_ =	shalt  }
0x59: {  	_ =	shalt  }
0x5a: {  	_ =	shalt  }
0x5b: {  	_ =	shalt  }
0x5c: {  	_ =	shalt  }
0x5d: {  	_ =	shalt  }
0x5e: {  	_ =	shalt  }
0x5f: {  	_ =	shalt  }
0x60: {  	_ =	shalt  }
0x61: {  	_ =	shalt  }
0x62: {  	_ =	shalt  }
0x63: {  	_ =	shalt  }
0x64: {  	_ =	shalt  }
0x65: {  	_ =	shalt  }
0x66: {  	_ =	shalt  }
0x67: {  	_ =	shalt  }
0x68: {  	_ =	shalt  }
0x69: {  	_ =	shalt  }
0x6a: {  	_ =	shalt  }
0x6b: {  	_ =	shalt  }
0x6c: {  	_ =	shalt  }
0x6d: {  	_ =	shalt  }
0x6e: {  	_ =	shalt  }
0x6f: {  	_ =	shalt  }
0x70: {  	_ =	shalt  }
0x71: {  	_ =	shalt  }
0x72: {  	_ =	shalt  }
0x73: {  	_ =	shalt  }
0x74: {  	_ =	shalt  }
0x75: {  	_ =	shalt  }
0x76: {  	_ =	shalt  }
0x77: {  	_ =	shalt  }
0x78: {  	_ =	shalt  }
0x79: {  	_ =	shalt  }
0x7a: {  	_ =	shalt  }
0x7b: {  	_ =	shalt  }
0x7c: {  	_ =	shalt  }
0x7d: {  	_ =	shalt  }
0x7e: {  	_ =	shalt  }
0x7f: {  	_ =	shalt  }
0x80: {  	_ =	shalt  }
0x81: {  	_ =	shalt  }
0x82: {  	_ =	shalt  }
0x83: {  	_ =	shalt  }
0x84: {  	_ =	shalt  }
0x85: {  	_ =	shalt  }
0x86: {  	_ =	shalt  }
0x87: {  	_ =	shalt  }
.Lfunc_end0:
.L_simem_size_0:
called_computation_lowered:
.L_overlay_start_0:
0x88: {  	s2 =	sld [smem:$0x3FD9]  }
0x89: {  	s3 =	sld [smem:$0x3FFE];
	_ =	sdelay $0x1  }
0x8a: {  	s1 =	srdreg.scid  }
0x8b: {  	s0 =	sand.u32 $0x1, s1  }
0x8c: {  	s18 =	sshll.u32 s0, $0xA;
	s2 =	sadd.s32 s3, s2  }
0x8d: {  	s2 =	sadd.s32 s2, s18  }
0x8e: {  	[smem:$0x3FC7] =	sst s2  }
0x8f: {  	_ = 	snop  }
0x90: {  	s2 =	sld [smem:$0x3FC9]  }
0x91: {  	s19 =	sld [smem:$0x3FD0];
	(tm) =	ssettm $0x1  }
0x92: {  	s4 =	sld [smem:$0x3FFB];
	_ =	sdelay $0x3  }
0x93: {  	_ =	strace s4  }
0x94: {  	s4 =	sld [smem:$0x3FFC];
	_ =	sdelay $0x3  }
0x95: {  	_ =	strace s4  }
0x96: {  	s4 =	sld [smem:$0x3FFD];
	_ =	sdelay $0x3  }
0x97: {  	_ =	strace s4  }
0x98: {  	_ =	strace $0x8FFFFFFF  }
0x99: {  	s20 =	sld [smem:$0x3FDB];
	_ =	sdelay $0x1  }
0x9a: {  	s5 =	simm.s32 $_scs_section_size  }
0x9b: {  	s6 =	simm.s32 $_size__tile_overlayer_lowered;
	s7 =	simm.s32 $_tile_overlayer_lowered  }
0x9c: {  	s23 =	simm.s32 $0x1BFF;
	s22 =	sshll.u32 s7, $0x1;
	s4 =	sadd.s32 s5, s20  }
0x9d: {  	s8 =	simm.s32 $0x0;
	s21 =	sshll.u32 s6, $0x1;
	s6 =	sadd.s32 s22, s4  }
0x9e: {  	[timem:s8], [sflag:s23] =	dma.local [hbm:s6], s21  }
0x9f: {  	_ =	swait.ge [sflag:s23], s21  }
0xa0: {  	s5 =	ssub.s32 $0x0, s21;
	[sflag:s23] =	ssyncset.done $0x0  }
0xa1: {  	[sflag:s23] =	ssyncadd.s32 s5;
	_ =	sdelay $0x1  }
0xa2: {  	s24 =	simm.s32 $0x1B8B  }
0xa3: {  	_ =	swait.ge [sflag:s24], $0x1  }
0xa4: {  	[sflag:s24] =	ssyncset.done $0x0  }
0xa5: {  	s25 =	simm.s32 $0x1B8E;
	[sflag:s24] =	ssyncadd.s32 $0xFFFFFFFF  }
0xa6: {  	s26 =	simm.s32 $execute0_lowered;
	[smem:$0x3FD2] =	sst s25  }
0xa7: {  	s5 =	sshll.u32 s26, $0x1;
	_ =	strace $0x80000046;
	[dreg:$0x1] =	wrdreg $0xFFFFFFFF  }
0xa8: {  	s28 =	simm.s32 $_size_execute0_lowered;
	s4 =	sadd.s32 s4, s5;
	[dreg:$0x0] =	wrdreg $0x0  }
0xa9: {  	s5 =	sshll.u32 s28, $0x1;
	[dreg:$0x2] =	wrdreg s4  }
0xaa: {  	[dreg:$0x3] =	wrdreg s5  }
0xab: {  	[dreg:$0x4] =	wrdreg $0xC0  }
0xac: {  	_ =	task [dreg:s8], $0x5FFFF  }
0xad: {  	[dreg:$0x1] =	wrdreg $0xFFFFFFFF  }
0xae: {  	[dreg:$0x0] =	wrdreg $0x60  }
0xaf: {  	[dreg:$0x2] =	wrdreg s2  }
0xb0: {  	[dreg:$0x3] =	wrdreg s19  }
0xb1: {  	[dreg:$0x4] =	wrdreg $0x9  }
0xb2: {  	_ =	task.clear_ibuf [dreg:s8], $0x5FFFF;
	_ =	strace $0x90000046  }
0xb3: {  	s29 =	simm.s32 $0x9;
	_ =	strace $0x80000048  }
0xb4: {  	_ =	swait.ge [sflag:s29], $0x1  }
0xb5: {  	[sflag:s29] =	ssyncadd.s32 $0xFFFFFFFF  }
0xb6: {  	_ =	strace $0x90000048  }
0xb7: {  	_ =	sfence  }
0xb8: {  	s30 =	sld [smem:$0x0];
	_ =	sdelay $0x2  }
0xb9: {  	s31 =	sshll.u32 s1, $0xD;
	s1 =	sshrl.u32 s1, $0x2  }
0xba: {  	s3 =	sand.u32 $0x4000, s31;
	s1 =	sadd.s32 s1, s30  }
0xbb: {  	s0 =	sor.u32 s3, s0;
	s1 =	sshll.u32 s1, $0x11  }
0xbc: {  	s0 =	sor.u32 s1, s0  }
0xbd: {  	s0 =	sadd.s32 $0x8F2B, s0  }
0xbe: {  	[sflag:s0] =	ssyncadd.remote.s32 $0x1  }
0xbf: {  	_ =	sfence.sel $0xFFFF  }
0xc0: {  	[dreg:$0x0] =	wrdreg $0xFFFFFFFF;
	(pc) =	sbr.abs _section_cstart, $3  }
0xc1: {  	[dreg:$0x1] =	wrdreg $0xFFFFFFFF  }
0xc2: {  	_ =	task.clear_ibuf [dreg:s8], $0x2FFFF;
	_ =	strace $0x9FFFFFFF  }
0xc3: {  	(tm) =	ssettm $0x7FFFFFFF  }
tec
execute0_lowered:
.L_overlay_start_1:
0x0: {  	(tag) =	ssettag $0x1  }
0x1: {  	s0 =	rddreg [dreg:$0x0]  }
0x2: {  	s1 =	rddreg [dreg:$0x1]  }
0x3: {  	s2 =	simm.s32 $0x0;
	s3 =	srdreg.scid;
	s5 =	stileid.u32  }
0x4: {  	s18 =	simm.s32 $0x4;
	s19 =	simm.s32 $0x200;
	s20 =	simm.s32 $0x1000  }
0x5: {  	s21 =	simm.s32 $0x20000;
	s22 =	simm.s32 $0xA200;
	s23 =	simm.s32 $0x14200  }
0x6: {  	s24 =	simm.s32 $0x1;
	s25 =	simm.s32 $0x2;
	s26 =	simm.s32 $0x3  }
0x7: {  	s28 =	simm.s32 $0x0;
	[smem:$0x7FF] =	sst s2;
	s3 =	sand.u32 $0x1, s3  }
0x8: {  	s5 =	sshll.u32 s5, $0xA;
	s4 =	ssub.s32 $0x2, s3;
	s3 =	sshll.u32 s3, $0x9  }
0x9: {  	_ =	strace $0x80000047;
	s6 =	sshrl.u32 s4, $0x1;
	s3 =	sor.u32 s3, s5  }
0xa: {  	s4 =	ssub.s32 s4, s6;
	s5 =	sshrl.u32 s3, $0x3;
	s3 =	sadd.s32 s1, s3  }
0xb: {  	s0 =	sadd.s32 s0, s5;
	s5 =	sadd.s32 $0x28000, s3;
	s6 =	sadd.s32 $0x50000, s3  }
0xc: {  	s7 =	sadd.s32 $0x78000, s3;
	s8 =	sadd.s32 $0xA0000, s3;
	s9 =	sadd.s32 $0xC8000, s3  }
0xd: {  	s10 =	sadd.s32 $0xF0000, s3;
	s11 =	sadd.s32 $0x118000, s3;
	s12 =	sadd.s32 $0x140000, s3  }
0xe: {  	s13 =	sadd.s32 $0x168000, s3;
	s14 =	sadd.s32 $0x190000, s3;
	s15 =	sadd.s32 $0x1B8000, s3  }
0xf: {  	v0 =	vimm.f32 $0.0e+00;
	v1 =	vlaneseq.u32;
	v2 =	vimm.f32 $1.000000000e+00;
	s16 =	sadd.s32 $0x1E0000, s3;
	s17 =	smax.u32 s4, $0x1;
	[dreg:$0x3] =	wrdreg s0  }
.LBB2_1:
0x10: {  	s0 =	rddreg [dreg:$0x3]  }
0x11: {  	[tilespmem:s2], [sflag:$0x4] =	stream.linear.gather [hbm4b:s0+s2], $0x200, $0x38;
	[tilespmem:$0x1E200] =	vst v63  }
0x12: {  	_ =	swait.ge [sflag:s18], $0x200  }
0x13: {  	s4 =	sand.u32 $0xF000, s2;
	s1 =	sand.u32 $0x380, s2;
	[sflag:s18] =	ssyncset.done $0x0  }
0x14: {  	s29 =	sor.u32 s1, s4;
	[sflag:s18] =	ssyncadd.s32 $0xFFFFFE00  }
0x15: {  	[tilespmem:s29+$0xE70] =	vst v0  }
0x16: {  	[tilespmem:s29+$0x200] =	vst v0  }
0x17: {  	[tilespmem:s29+$0x210] =	vst v0  }
0x18: {  	[tilespmem:s29+$0x220] =	vst v0  }
0x19: {  	[tilespmem:s29+$0x230] =	vst v0  }
0x1a: {  	[tilespmem:s29+$0x240] =	vst v0  }
0x1b: {  	[tilespmem:s29+$0x250] =	vst v0  }
0x1c: {  	[tilespmem:s29+$0x260] =	vst v0  }
0x1d: {  	[tilespmem:s29+$0x270] =	vst v0  }
0x1e: {  	[tilespmem:s29+$0x600] =	vst v0  }
0x1f: {  	[tilespmem:s29+$0x610] =	vst v0  }
0x20: {  	[tilespmem:s29+$0x620] =	vst v0  }
0x21: {  	[tilespmem:s29+$0x630] =	vst v0  }
0x22: {  	[tilespmem:s29+$0x640] =	vst v0  }
0x23: {  	[tilespmem:s29+$0x650] =	vst v0  }
0x24: {  	[tilespmem:s29+$0x660] =	vst v0  }
0x25: {  	[tilespmem:s29+$0x670] =	vst v0  }
0x26: {  	[tilespmem:s29+$0xA00] =	vst v0  }
0x27: {  	[tilespmem:s29+$0xA10] =	vst v0  }
0x28: {  	[tilespmem:s29+$0xA20] =	vst v0  }
0x29: {  	[tilespmem:s29+$0xA30] =	vst v0  }
0x2a: {  	[tilespmem:s29+$0xA40] =	vst v0  }
0x2b: {  	[tilespmem:s29+$0xA50] =	vst v0  }
0x2c: {  	[tilespmem:s29+$0xA60] =	vst v0  }
0x2d: {  	[tilespmem:s29+$0xA70] =	vst v0  }
0x2e: {  	[tilespmem:s29+$0xE00] =	vst v0  }
0x2f: {  	[tilespmem:s29+$0xE10] =	vst v0  }
0x30: {  	[tilespmem:s29+$0xE20] =	vst v0  }
0x31: {  	[tilespmem:s29+$0xE30] =	vst v0  }
0x32: {  	s31 =	simm.s32 $0x200;
	s30 =	simm.s32 $0x80;
	[tilespmem:s29+$0xE40] =	vst v0  }
0x33: {  	s1 =	sand.u32 $0xF000, s31;
	s4 =	sand.u32 $0x380, s30;
	s0 =	simm.s32 $0x400;
	[tilespmem:s29+$0xE50] =	vst v0  }
.LBB2_2:
0x34: {  	p0 =	sne.s32 s0, $0x9E00;
	[tilespmem:s29+$0xE60] =	vst v0;
	s29 =	sor.u32 s4, s1  }
0x35: {  	[tilespmem:s29+$0xE70] =	vst v0  }
0x36: {  	[tilespmem:s29+$0x200] =	vst v0  }
0x37: {  	[tilespmem:s29+$0x210] =	vst v0  }
0x38: {  	[tilespmem:s29+$0x220] =	vst v0  }
0x39: {  	[tilespmem:s29+$0x230] =	vst v0  }
0x3a: {  	[tilespmem:s29+$0x240] =	vst v0  }
0x3b: {  	[tilespmem:s29+$0x250] =	vst v0  }
0x3c: {  	[tilespmem:s29+$0x260] =	vst v0  }
0x3d: {  	[tilespmem:s29+$0x270] =	vst v0  }
0x3e: {  	[tilespmem:s29+$0x600] =	vst v0  }
0x3f: {  	[tilespmem:s29+$0x610] =	vst v0  }
0x40: {  	[tilespmem:s29+$0x620] =	vst v0  }
0x41: {  	[tilespmem:s29+$0x630] =	vst v0  }
0x42: {  	[tilespmem:s29+$0x640] =	vst v0  }
0x43: {  	[tilespmem:s29+$0x650] =	vst v0  }
0x44: {  	[tilespmem:s29+$0x660] =	vst v0  }
0x45: {  	[tilespmem:s29+$0x670] =	vst v0  }
0x46: {  	[tilespmem:s29+$0xA00] =	vst v0  }
0x47: {  	[tilespmem:s29+$0xA10] =	vst v0  }
0x48: {  	[tilespmem:s29+$0xA20] =	vst v0  }
0x49: {  	[tilespmem:s29+$0xA30] =	vst v0  }
0x4a: {  	[tilespmem:s29+$0xA40] =	vst v0  }
0x4b: {  	[tilespmem:s29+$0xA50] =	vst v0  }
0x4c: {  	[tilespmem:s29+$0xA60] =	vst v0  }
0x4d: {  	[tilespmem:s29+$0xA70] =	vst v0  }
0x4e: {  	[tilespmem:s29+$0xE00] =	vst v0  }
.Ltmp0:
0x4f: {  	[tilespmem:s29+$0xE10] =	vst v0;
	(pc) =	sbr.rel @p0 .LBB2_2-.Ltmp0, $4  }
0x50: {  	[tilespmem:s29+$0xE20] =	vst v0  }
0x51: {  	[tilespmem:s29+$0xE30] =	vst v0  }
0x52: {  	s30 =	sadd.s32 $0x80, s30;
	[tilespmem:s29+$0xE40] =	vst v0  }
0x53: {  	s1 =	sand.u32 $0xF000, s0;
	s0 =	sadd.s32 $0x200, s0;
	s4 =	sand.u32 $0x380, s30;
	[tilespmem:s29+$0xE50] =	vst v0  }
0x54: {  	s0 =	sor.u32 s4, s1;
	[tilespmem:s29+$0xE60] =	vst v0  }
0x55: {  	[tilespmem:s0+$0xE70] =	vst v0  }
0x56: {  	[tilespmem:s0+$0x200] =	vst v0  }
0x57: {  	[tilespmem:s0+$0x210] =	vst v0  }
0x58: {  	[tilespmem:s0+$0x220] =	vst v0  }
0x59: {  	[tilespmem:s0+$0x230] =	vst v0  }
0x5a: {  	[tilespmem:s0+$0x240] =	vst v0  }
0x5b: {  	[tilespmem:s0+$0x250] =	vst v0  }
0x5c: {  	[tilespmem:s0+$0x260] =	vst v0  }
0x5d: {  	[tilespmem:s0+$0x270] =	vst v0  }
0x5e: {  	[tilespmem:s0+$0x600] =	vst v0  }
0x5f: {  	[tilespmem:s0+$0x610] =	vst v0  }
0x60: {  	[tilespmem:s0+$0x620] =	vst v0  }
0x61: {  	[tilespmem:s0+$0x630] =	vst v0  }
0x62: {  	[tilespmem:s0+$0x640] =	vst v0  }
0x63: {  	[tilespmem:s0+$0x650] =	vst v0  }
0x64: {  	[tilespmem:s0+$0x660] =	vst v0  }
0x65: {  	[tilespmem:s0+$0x670] =	vst v0  }
0x66: {  	[tilespmem:s0+$0xA00] =	vst v0  }
0x67: {  	[tilespmem:s0+$0xA10] =	vst v0  }
0x68: {  	[tilespmem:s0+$0xA20] =	vst v0  }
0x69: {  	[tilespmem:s0+$0xA30] =	vst v0  }
0x6a: {  	[tilespmem:s0+$0xA40] =	vst v0  }
0x6b: {  	[tilespmem:s0+$0xA50] =	vst v0  }
0x6c: {  	[tilespmem:s0+$0xA60] =	vst v0  }
0x6d: {  	[tilespmem:s0+$0xA70] =	vst v0  }
0x6e: {  	[tilespmem:s0+$0xE00] =	vst v0  }
0x6f: {  	[tilespmem:s0+$0xE10] =	vst v0  }
0x70: {  	[tilespmem:s0+$0xE20] =	vst v0  }
0x71: {  	[tilespmem:s0+$0xE30] =	vst v0  }
0x72: {  	[tilespmem:s0+$0xE40] =	vst v0  }
0x73: {  	[tilespmem:s0+$0xE50] =	vst v0  }
0x74: {  	[tilespmem:s0+$0xE60] =	vst v0;
	s0 =	simm.s32 $0x0  }
0x75: {  	s29 =	simm.s32 $0x10;
	s30 =	simm.s32 $0x0;
	v3 =	vld [tilespmem:s0+$0x0]  }
.LBB2_4:
0x76: {  	p0 =	sne.s32 s29, $0x1F0;
	_ =	sdelay $0x3  }
0x77: {  	v4 =	vmov s0;
	vm0 =	vlt.u32 v3, $0x50  }
0x78: {  	v5 =	vor.u32 s0, v1;
	s0 =	smov.u32 s29;
	v4 =	vshll.u32 v4, $0x3;
	v3 =	vnsel vm0, $0x0, v3  }
0x79: {  	v5 =	vand.u32 $0x7F, v5;
	v4 =	vand.u32 $0xC00, v4;
	v6 =	vshll.u32 v3, $0x9  }
0x7a: {  	v4 =	vor.u32 v4, v5;
	v3 =	vshll.u32 v3, $0x7;
	v6 =	vand.u32 $0xFFFFF000, v6  }
0x7b: {  	v3 =	vand.u32 $0x380, v3;
	v4 =	vor.u32 v6, v4  }
0x7c: {  	v3 =	vor.u32 v3, v4;
	_ =	sdelay $0x1  }
.Ltmp1:
0x7d: {  	(pc) =	sbr.rel @p0 .LBB2_4-.Ltmp1, $3  }
0x7e: {  	_ =	sdelay $0x1  }
0x7f: {  	s30 =	sadd.s32 $0x10, s30;
	[tilespmem:v3+s19+$0x0] =	vst.idx.msk vm0, v2  }
0x80: {  	s29 =	sadd.s32 $0x10, s29;
	v3 =	vld [tilespmem:s30+$0x0]  }
0x81: {  	_ =	sdelay $0x3  }
0x82: {  	v4 =	vmov s0;
	vm0 =	vlt.u32 v3, $0x50  }
0x83: {  	v5 =	vor.u32 s0, v1;
	v4 =	vshll.u32 v4, $0x3;
	v3 =	vnsel vm0, $0x0, v3  }
0x84: {  	v5 =	vand.u32 $0x7F, v5;
	v4 =	vand.u32 $0xC00, v4;
	v6 =	vshll.u32 v3, $0x9  }
0x85: {  	v4 =	vor.u32 v4, v5;
	v3 =	vshll.u32 v3, $0x7;
	v6 =	vand.u32 $0xFFFFF000, v6  }
0x86: {  	v3 =	vand.u32 $0x380, v3;
	v4 =	vor.u32 v6, v4  }
0x87: {  	v3 =	vor.u32 v3, v4;
	_ =	sdelay $0x2  }
0x88: {  	s29 =	simm.s32 $0x0  }
0x89: {  	s4 =	sand.u32 $0xF000, s29;
	s1 =	sand.u32 $0x380, s29  }
0x8a: {  	s30 =	sor.u32 s1, s4;
	[tilespmem:v3+s19+$0x0] =	vst.idx.msk vm0, v2  }
0x8b: {  	[hbm4b:s3+s20] =	stream.strided.scatter [tilespmem:s19], [sflag:$0x1], $0xA000, s21, s20, $0x38;
	[tilespmem:$0x1E200] =	vst v63  }
0x8c: {  	[tilespmem:s30+$0xAE70] =	vst v0  }
0x8d: {  	[tilespmem:s30+$0xA200] =	vst v0  }
0x8e: {  	[tilespmem:s30+$0xA210] =	vst v0  }
0x8f: {  	[tilespmem:s30+$0xA220] =	vst v0  }
0x90: {  	[tilespmem:s30+$0xA230] =	vst v0  }
0x91: {  	[tilespmem:s30+$0xA240] =	vst v0  }
0x92: {  	[tilespmem:s30+$0xA250] =	vst v0  }
0x93: {  	[tilespmem:s30+$0xA260] =	vst v0  }
0x94: {  	[tilespmem:s30+$0xA270] =	vst v0  }
0x95: {  	[tilespmem:s30+$0xA600] =	vst v0  }
0x96: {  	[tilespmem:s30+$0xA610] =	vst v0  }
0x97: {  	[tilespmem:s30+$0xA620] =	vst v0  }
0x98: {  	[tilespmem:s30+$0xA630] =	vst v0  }
0x99: {  	[tilespmem:s30+$0xA640] =	vst v0  }
0x9a: {  	[tilespmem:s30+$0xA650] =	vst v0  }
0x9b: {  	[tilespmem:s30+$0xA660] =	vst v0  }
0x9c: {  	[tilespmem:s30+$0xA670] =	vst v0  }
0x9d: {  	[tilespmem:s30+$0xAA00] =	vst v0  }
0x9e: {  	[tilespmem:s30+$0xAA10] =	vst v0  }
0x9f: {  	[tilespmem:s30+$0xAA20] =	vst v0  }
0xa0: {  	[tilespmem:s30+$0xAA30] =	vst v0  }
0xa1: {  	[tilespmem:s30+$0xAA40] =	vst v0  }
0xa2: {  	[tilespmem:s30+$0xAA50] =	vst v0  }
0xa3: {  	[tilespmem:s30+$0xAA60] =	vst v0  }
0xa4: {  	[tilespmem:s30+$0xAA70] =	vst v0  }
0xa5: {  	[tilespmem:s30+$0xAE00] =	vst v0  }
0xa6: {  	[tilespmem:s30+$0xAE10] =	vst v0  }
0xa7: {  	[tilespmem:s30+$0xAE20] =	vst v0  }
0xa8: {  	[tilespmem:s30+$0xAE30] =	vst v0  }
0xa9: {  	s31 =	simm.s32 $0x80;
	s4 =	simm.s32 $0x200;
	[tilespmem:s30+$0xAE40] =	vst v0  }
0xaa: {  	s0 =	simm.s32 $0x400;
	s1 =	sand.u32 $0xF000, s4;
	s4 =	sand.u32 $0x380, s31;
	[tilespmem:s30+$0xAE50] =	vst v0  }
.LBB2_6:
0xab: {  	p0 =	sne.s32 s0, $0x9E00;
	[tilespmem:s30+$0xAE60] =	vst v0;
	s30 =	sor.u32 s4, s1  }
0xac: {  	[tilespmem:s30+$0xAE70] =	vst v0  }
0xad: {  	[tilespmem:s30+$0xA200] =	vst v0  }
0xae: {  	[tilespmem:s30+$0xA210] =	vst v0  }
0xaf: {  	[tilespmem:s30+$0xA220] =	vst v0  }
0xb0: {  	[tilespmem:s30+$0xA230] =	vst v0  }
0xb1: {  	[tilespmem:s30+$0xA240] =	vst v0  }
0xb2: {  	[tilespmem:s30+$0xA250] =	vst v0  }
0xb3: {  	[tilespmem:s30+$0xA260] =	vst v0  }
0xb4: {  	[tilespmem:s30+$0xA270] =	vst v0  }
0xb5: {  	[tilespmem:s30+$0xA600] =	vst v0  }
0xb6: {  	[tilespmem:s30+$0xA610] =	vst v0  }
0xb7: {  	[tilespmem:s30+$0xA620] =	vst v0  }
0xb8: {  	[tilespmem:s30+$0xA630] =	vst v0  }
0xb9: {  	[tilespmem:s30+$0xA640] =	vst v0  }
0xba: {  	[tilespmem:s30+$0xA650] =	vst v0  }
0xbb: {  	[tilespmem:s30+$0xA660] =	vst v0  }
0xbc: {  	[tilespmem:s30+$0xA670] =	vst v0  }
0xbd: {  	[tilespmem:s30+$0xAA00] =	vst v0  }
0xbe: {  	[tilespmem:s30+$0xAA10] =	vst v0  }
0xbf: {  	[tilespmem:s30+$0xAA20] =	vst v0  }
0xc0: {  	[tilespmem:s30+$0xAA30] =	vst v0  }
0xc1: {  	[tilespmem:s30+$0xAA40] =	vst v0  }
0xc2: {  	[tilespmem:s30+$0xAA50] =	vst v0  }
0xc3: {  	[tilespmem:s30+$0xAA60] =	vst v0  }
0xc4: {  	[tilespmem:s30+$0xAA70] =	vst v0  }
0xc5: {  	[tilespmem:s30+$0xAE00] =	vst v0  }
.Ltmp2:
0xc6: {  	[tilespmem:s30+$0xAE10] =	vst v0;
	(pc) =	sbr.rel @p0 .LBB2_6-.Ltmp2, $4  }
0xc7: {  	[tilespmem:s30+$0xAE20] =	vst v0  }
0xc8: {  	[tilespmem:s30+$0xAE30] =	vst v0  }
0xc9: {  	s31 =	sadd.s32 $0x80, s31;
	[tilespmem:s30+$0xAE40] =	vst v0  }
0xca: {  	s1 =	sand.u32 $0xF000, s0;
	s0 =	sadd.s32 $0x200, s0;
	s4 =	sand.u32 $0x380, s31;
	[tilespmem:s30+$0xAE50] =	vst v0  }
0xcb: {  	s0 =	sor.u32 s4, s1;
	[tilespmem:s30+$0xAE60] =	vst v0  }
0xcc: {  	[tilespmem:s0+$0xAE70] =	vst v0  }
0xcd: {  	[tilespmem:s0+$0xA200] =	vst v0  }
0xce: {  	[tilespmem:s0+$0xA210] =	vst v0  }
0xcf: {  	[tilespmem:s0+$0xA220] =	vst v0  }
0xd0: {  	[tilespmem:s0+$0xA230] =	vst v0  }
0xd1: {  	[tilespmem:s0+$0xA240] =	vst v0  }
0xd2: {  	[tilespmem:s0+$0xA250] =	vst v0  }
0xd3: {  	[tilespmem:s0+$0xA260] =	vst v0  }
0xd4: {  	[tilespmem:s0+$0xA270] =	vst v0  }
0xd5: {  	[tilespmem:s0+$0xA600] =	vst v0  }
0xd6: {  	[tilespmem:s0+$0xA610] =	vst v0  }
0xd7: {  	[tilespmem:s0+$0xA620] =	vst v0  }
0xd8: {  	[tilespmem:s0+$0xA630] =	vst v0  }
0xd9: {  	[tilespmem:s0+$0xA640] =	vst v0  }
0xda: {  	[tilespmem:s0+$0xA650] =	vst v0  }
0xdb: {  	[tilespmem:s0+$0xA660] =	vst v0  }
0xdc: {  	[tilespmem:s0+$0xA670] =	vst v0  }
0xdd: {  	[tilespmem:s0+$0xAA00] =	vst v0  }
0xde: {  	[tilespmem:s0+$0xAA10] =	vst v0  }
0xdf: {  	[tilespmem:s0+$0xAA20] =	vst v0  }
0xe0: {  	[tilespmem:s0+$0xAA30] =	vst v0  }
0xe1: {  	[tilespmem:s0+$0xAA40] =	vst v0  }
0xe2: {  	[tilespmem:s0+$0xAA50] =	vst v0  }
0xe3: {  	[tilespmem:s0+$0xAA60] =	vst v0  }
0xe4: {  	[tilespmem:s0+$0xAA70] =	vst v0  }
0xe5: {  	[tilespmem:s0+$0xAE00] =	vst v0  }
0xe6: {  	[tilespmem:s0+$0xAE10] =	vst v0  }
0xe7: {  	[tilespmem:s0+$0xAE20] =	vst v0  }
0xe8: {  	[tilespmem:s0+$0xAE30] =	vst v0  }
0xe9: {  	[tilespmem:s0+$0xAE40] =	vst v0  }
0xea: {  	[tilespmem:s0+$0xAE50] =	vst v0  }
0xeb: {  	[tilespmem:s0+$0xAE60] =	vst v0  }
0xec: {  	s30 =	simm.s32 $0x0;
	s0 =	simm.s32 $0x10;
	v3 =	vld [tilespmem:s29+$0x0]  }
.LBB2_8:
0xed: {  	p0 =	sne.s32 s0, $0x1F0;
	_ =	sdelay $0x3  }
0xee: {  	v3 =	vadd.s32 $0xFFFFFFB0, v3  }
0xef: {  	v4 =	vmov s29;
	vm0 =	vlt.u32 v3, $0x50  }
0xf0: {  	v5 =	vor.u32 s29, v1;
	s29 =	smov.u32 s0;
	v4 =	vshll.u32 v4, $0x3;
	v3 =	vnsel vm0, $0x0, v3  }
0xf1: {  	v5 =	vand.u32 $0x7F, v5;
	v4 =	vand.u32 $0xC00, v4;
	v6 =	vshll.u32 v3, $0x9  }
0xf2: {  	v4 =	vor.u32 v4, v5;
	v3 =	vshll.u32 v3, $0x7;
	v6 =	vand.u32 $0xFFFFF000, v6  }
0xf3: {  	v3 =	vand.u32 $0x380, v3;
	v4 =	vor.u32 v6, v4  }
0xf4: {  	v3 =	vor.u32 v3, v4;
	_ =	sdelay $0x1  }
.Ltmp3:
0xf5: {  	(pc) =	sbr.rel @p0 .LBB2_8-.Ltmp3, $3  }
0xf6: {  	_ =	sdelay $0x1  }
0xf7: {  	s30 =	sadd.s32 $0x10, s30;
	[tilespmem:v3+s22+$0x0] =	vst.idx.msk vm0, v2  }
0xf8: {  	s0 =	sadd.s32 $0x10, s0;
	v3 =	vld [tilespmem:s30+$0x0]  }
0xf9: {  	_ =	sdelay $0x3  }
0xfa: {  	v3 =	vadd.s32 $0xFFFFFFB0, v3  }
0xfb: {  	v4 =	vmov s29;
	vm0 =	vlt.u32 v3, $0x50  }
0xfc: {  	v5 =	vor.u32 s29, v1;
	v4 =	vshll.u32 v4, $0x3;
	v3 =	vnsel vm0, $0x0, v3  }
0xfd: {  	v5 =	vand.u32 $0x7F, v5;
	v4 =	vand.u32 $0xC00, v4;
	v6 =	vshll.u32 v3, $0x9  }
0xfe: {  	v4 =	vor.u32 v4, v5;
	v3 =	vshll.u32 v3, $0x7;
	v6 =	vand.u32 $0xFFFFF000, v6  }
0xff: {  	v3 =	vand.u32 $0x380, v3;
	v4 =	vor.u32 v6, v4  }
0x100: {  	v3 =	vor.u32 v3, v4;
	_ =	sdelay $0x2  }
0x101: {  	s29 =	simm.s32 $0x0  }
0x102: {  	s0 =	sand.u32 $0xF000, s29;
	s1 =	sand.u32 $0x380, s29  }
0x103: {  	s0 =	sor.u32 s1, s0;
	[tilespmem:v3+s22+$0x0] =	vst.idx.msk vm0, v2  }
0x104: {  	[hbm4b:s5+s20] =	stream.strided.scatter [tilespmem:s22], [sflag:$0x2], $0xA000, s21, s20, $0x38;
	[tilespmem:$0x1E200] =	vst v63  }
0x105: {  	s30 =	sadd.s32 $0x14200, s0;
	[tilespmem:s0+$0x14200] =	vst v0  }
0x106: {  	[tilespmem:s30+$0x40] =	vst v0  }
0x107: {  	[tilespmem:s30+$0x50] =	vst v0  }
0x108: {  	[tilespmem:s30+$0x60] =	vst v0  }
0x109: {  	[tilespmem:s30+$0x70] =	vst v0  }
0x10a: {  	[tilespmem:s30+$0x400] =	vst v0  }
0x10b: {  	[tilespmem:s30+$0x410] =	vst v0  }
0x10c: {  	[tilespmem:s30+$0x420] =	vst v0  }
0x10d: {  	[tilespmem:s30+$0x430] =	vst v0  }
0x10e: {  	[tilespmem:s30+$0x440] =	vst v0  }
0x10f: {  	[tilespmem:s30+$0x450] =	vst v0  }
0x110: {  	[tilespmem:s30+$0x460] =	vst v0  }
0x111: {  	[tilespmem:s30+$0x470] =	vst v0  }
0x112: {  	[tilespmem:s30+$0x800] =	vst v0  }
0x113: {  	[tilespmem:s30+$0x810] =	vst v0  }
0x114: {  	[tilespmem:s30+$0x820] =	vst v0  }
0x115: {  	[tilespmem:s30+$0x830] =	vst v0  }
0x116: {  	[tilespmem:s30+$0x840] =	vst v0  }
0x117: {  	[tilespmem:s30+$0x850] =	vst v0  }
0x118: {  	[tilespmem:s30+$0x860] =	vst v0  }
0x119: {  	[tilespmem:s30+$0x870] =	vst v0  }
0x11a: {  	[tilespmem:s30+$0xC00] =	vst v0  }
0x11b: {  	[tilespmem:s30+$0xC10] =	vst v0  }
0x11c: {  	[tilespmem:s30+$0xC20] =	vst v0  }
0x11d: {  	[tilespmem:s30+$0xC30] =	vst v0  }
0x11e: {  	[tilespmem:s30+$0xC40] =	vst v0  }
0x11f: {  	[tilespmem:s30+$0xC50] =	vst v0  }
0x120: {  	[tilespmem:s30+$0xC60] =	vst v0  }
0x121: {  	[tilespmem:s30+$0x10] =	vst v0  }
0x122: {  	s4 =	simm.s32 $0x200;
	s31 =	simm.s32 $0x80;
	[tilespmem:s30+$0x20] =	vst v0  }
0x123: {  	s1 =	sand.u32 $0xF000, s4;
	s4 =	sand.u32 $0x380, s31;
	s0 =	simm.s32 $0x400;
	[tilespmem:s30+$0x30] =	vst v0  }
.LBB2_10:
0x124: {  	p0 =	sne.s32 s0, $0x9E00;
	s1 =	sor.u32 s4, s1;
	[tilespmem:s30+$0xC70] =	vst v0  }
0x125: {  	s30 =	sadd.s32 $0x14200, s1;
	[tilespmem:s1+$0x14200] =	vst v0  }
0x126: {  	[tilespmem:s30+$0x10] =	vst v0  }
0x127: {  	[tilespmem:s30+$0x20] =	vst v0  }
0x128: {  	[tilespmem:s30+$0x30] =	vst v0  }
0x129: {  	[tilespmem:s30+$0x40] =	vst v0  }
0x12a: {  	[tilespmem:s30+$0x50] =	vst v0  }
0x12b: {  	[tilespmem:s30+$0x60] =	vst v0  }
0x12c: {  	[tilespmem:s30+$0x70] =	vst v0  }
0x12d: {  	[tilespmem:s30+$0x400] =	vst v0  }
0x12e: {  	[tilespmem:s30+$0x410] =	vst v0  }
0x12f: {  	[tilespmem:s30+$0x420] =	vst v0  }
0x130: {  	[tilespmem:s30+$0x430] =	vst v0  }
0x131: {  	[tilespmem:s30+$0x440] =	vst v0  }
0x132: {  	[tilespmem:s30+$0x450] =	vst v0  }
0x133: {  	[tilespmem:s30+$0x460] =	vst v0  }
0x134: {  	[tilespmem:s30+$0x470] =	vst v0  }
0x135: {  	[tilespmem:s30+$0x800] =	vst v0  }
0x136: {  	[tilespmem:s30+$0x810] =	vst v0  }
0x137: {  	[tilespmem:s30+$0x820] =	vst v0  }
0x138: {  	[tilespmem:s30+$0x830] =	vst v0  }
0x139: {  	[tilespmem:s30+$0x840] =	vst v0  }
0x13a: {  	[tilespmem:s30+$0x850] =	vst v0  }
0x13b: {  	[tilespmem:s30+$0x860] =	vst v0  }
0x13c: {  	[tilespmem:s30+$0x870] =	vst v0  }
0x13d: {  	[tilespmem:s30+$0xC00] =	vst v0  }
0x13e: {  	[tilespmem:s30+$0xC10] =	vst v0  }
.Ltmp4:
0x13f: {  	[tilespmem:s30+$0xC20] =	vst v0;
	(pc) =	sbr.rel @p0 .LBB2_10-.Ltmp4, $4  }
0x140: {  	[tilespmem:s30+$0xC30] =	vst v0  }
0x141: {  	[tilespmem:s30+$0xC40] =	vst v0  }
0x142: {  	s31 =	sadd.s32 $0x80, s31;
	[tilespmem:s30+$0xC50] =	vst v0  }
0x143: {  	s1 =	sand.u32 $0xF000, s0;
	s4 =	sand.u32 $0x380, s31;
	s0 =	sadd.s32 $0x200, s0;
	[tilespmem:s30+$0xC60] =	vst v0  }
0x144: {  	s0 =	sor.u32 s4, s1;
	[tilespmem:s30+$0xC70] =	vst v0  }
0x145: {  	s1 =	sadd.s32 $0x14200, s0;
	[tilespmem:s0+$0x14200] =	vst v0  }
0x146: {  	[tilespmem:s1+$0x10] =	vst v0  }
0x147: {  	[tilespmem:s1+$0x20] =	vst v0  }
0x148: {  	[tilespmem:s1+$0x30] =	vst v0  }
0x149: {  	[tilespmem:s1+$0x40] =	vst v0  }
0x14a: {  	[tilespmem:s1+$0x50] =	vst v0  }
0x14b: {  	[tilespmem:s1+$0x60] =	vst v0  }
0x14c: {  	[tilespmem:s1+$0x70] =	vst v0  }
0x14d: {  	[tilespmem:s1+$0x400] =	vst v0  }
0x14e: {  	[tilespmem:s1+$0x410] =	vst v0  }
0x14f: {  	[tilespmem:s1+$0x420] =	vst v0  }
0x150: {  	[tilespmem:s1+$0x430] =	vst v0  }
0x151: {  	[tilespmem:s1+$0x440] =	vst v0  }
0x152: {  	[tilespmem:s1+$0x450] =	vst v0  }
0x153: {  	[tilespmem:s1+$0x460] =	vst v0  }
0x154: {  	[tilespmem:s1+$0x470] =	vst v0  }
0x155: {  	[tilespmem:s1+$0x800] =	vst v0  }
0x156: {  	[tilespmem:s1+$0x810] =	vst v0  }
0x157: {  	[tilespmem:s1+$0x820] =	vst v0  }
0x158: {  	[tilespmem:s1+$0x830] =	vst v0  }
0x159: {  	[tilespmem:s1+$0x840] =	vst v0  }
0x15a: {  	[tilespmem:s1+$0x850] =	vst v0  }
0x15b: {  	[tilespmem:s1+$0x860] =	vst v0  }
0x15c: {  	[tilespmem:s1+$0x870] =	vst v0  }
0x15d: {  	[tilespmem:s1+$0xC00] =	vst v0  }
0x15e: {  	[tilespmem:s1+$0xC10] =	vst v0  }
0x15f: {  	[tilespmem:s1+$0xC20] =	vst v0  }
0x160: {  	[tilespmem:s1+$0xC30] =	vst v0  }
0x161: {  	[tilespmem:s1+$0xC40] =	vst v0  }
0x162: {  	[tilespmem:s1+$0xC50] =	vst v0  }
0x163: {  	[tilespmem:s1+$0xC60] =	vst v0  }
0x164: {  	[tilespmem:s1+$0xC70] =	vst v0  }
0x165: {  	s30 =	simm.s32 $0x0;
	s0 =	simm.s32 $0x10;
	v3 =	vld [tilespmem:s29+$0x0]  }
.LBB2_12:
0x166: {  	p0 =	sne.s32 s0, $0x1F0;
	_ =	sdelay $0x3  }
0x167: {  	v3 =	vadd.s32 $0xFFFFFF60, v3  }
0x168: {  	v4 =	vmov s29;
	vm0 =	vlt.u32 v3, $0x50  }
0x169: {  	v5 =	vor.u32 s29, v1;
	s29 =	smov.u32 s0;
	v4 =	vshll.u32 v4, $0x3;
	v3 =	vnsel vm0, $0x0, v3  }
0x16a: {  	v5 =	vand.u32 $0x7F, v5;
	v4 =	vand.u32 $0xC00, v4;
	v6 =	vshll.u32 v3, $0x9  }
0x16b: {  	v4 =	vor.u32 v4, v5;
	v3 =	vshll.u32 v3, $0x7;
	v6 =	vand.u32 $0xFFFFF000, v6  }
0x16c: {  	v3 =	vand.u32 $0x380, v3;
	v4 =	vor.u32 v6, v4  }
0x16d: {  	v3 =	vor.u32 v3, v4;
	_ =	sdelay $0x1  }
.Ltmp5:
0x16e: {  	(pc) =	sbr.rel @p0 .LBB2_12-.Ltmp5, $3  }
0x16f: {  	_ =	sdelay $0x1  }
0x170: {  	s30 =	sadd.s32 $0x10, s30;
	[tilespmem:v3+s23+$0x0] =	vst.idx.msk vm0, v2  }
0x171: {  	s0 =	sadd.s32 $0x10, s0;
	v3 =	vld [tilespmem:s30+$0x0]  }
0x172: {  	_ =	sdelay $0x3  }
0x173: {  	v3 =	vadd.s32 $0xFFFFFF60, v3  }
0x174: {  	v4 =	vmov s29;
	vm0 =	vlt.u32 v3, $0x50  }
0x175: {  	v5 =	vor.u32 s29, v1;
	v4 =	vshll.u32 v4, $0x3;
	v3 =	vnsel vm0, $0x0, v3  }
0x176: {  	v5 =	vand.u32 $0x7F, v5;
	v4 =	vand.u32 $0xC00, v4;
	v6 =	vshll.u32 v3, $0x9  }
0x177: {  	v4 =	vor.u32 v4, v5;
	v3 =	vshll.u32 v3, $0x7;
	v6 =	vand.u32 $0xFFFFF000, v6  }
0x178: {  	v3 =	vand.u32 $0x380, v3;
	v4 =	vor.u32 v6, v4  }
0x179: {  	v3 =	vor.u32 v3, v4;
	_ =	sdelay $0x4  }
0x17a: {  	[tilespmem:v3+s23+$0x0] =	vst.idx.msk vm0, v2  }
0x17b: {  	[hbm4b:s6+s20] =	stream.strided.scatter [tilespmem:s23], [sflag:$0x3], $0xA000, s21, s20, $0x38;
	[tilespmem:$0x1E200] =	vst v63  }
0x17c: {  	_ =	swait.ge [sflag:s24], $0xA000  }
0x17d: {  	[sflag:s24] =	ssyncset.done $0x0  }
0x17e: {  	s29 =	simm.s32 $0x0;
	[sflag:s24] =	ssyncadd.s32 $0xFFFF6000  }
0x17f: {  	v3 =	vld [tilespmem:s29+$0x0];
	_ =	sdelay $0x3  }
0x180: {  	v5 =	vmov s29  }
0x181: {  	v5 =	vshll.u32 v5, $0x3;
	vm0 =	vlt.u32 v3, $0x50  }
0x182: {  	v5 =	vand.u32 $0xC00, v5;
	v4 =	vadd.s32 $0xFFFFFF10, v3;
	v3 =	vnsel vm0, $0x0, v3  }
0x183: {  	vm1 =	vlt.u32 v4, $0x50;
	v6 =	vshll.u32 v3, $0x9;
	v3 =	vshll.u32 v3, $0x7  }
0x184: {  	v4 =	vnsel vm1, $0x0, v4;
	v6 =	vand.u32 $0xFFFFF000, v6;
	v3 =	vand.u32 $0x380, v3  }
0x185: {  	v7 =	vshll.u32 v4, $0x9;
	v4 =	vshll.u32 v4, $0x7;
	v3 =	vor.u32 v6, v3  }
0x186: {  	v6 =	vand.u32 $0xFFFFF000, v7;
	v4 =	vand.u32 $0x380, v4;
	v7 =	vor.u32 s29, v1  }
0x187: {  	v4 =	vor.u32 v6, v4;
	v6 =	vand.u32 $0x7F, v7;
	v3 =	vor.u32 v5, v3  }
0x188: {  	v5 =	vor.u32 v5, v4;
	v4 =	vor.u32 v6, v3  }
0x189: {  	s0 =	simm.s32 $0x10;
	v3 =	vor.u32 v6, v5  }
.LBB2_14:
0x18a: {  	_ =	sdelay $0x1  }
0x18b: {  	p0 =	sne.s32 s0, $0x1F0  }
0x18c: {  	[tilespmem:v4+s19+$0x0] =	vst.idx.msk vm0, v0;
	s29 =	sadd.s32 $0x10, s29;
	s1 =	smov.u32 s0;
	s0 =	sadd.s32 $0x10, s0  }
0x18d: {  	[tilespmem:v3+s19+$0x0] =	vst.idx.msk vm1, v2  }
0x18e: {  	v3 =	vld [tilespmem:s29+$0x0];
	_ =	sdelay $0x4  }
0x18f: {  	v4 =	vor.u32 s1, v1;
	vm0 =	vlt.u32 v3, $0x50;
	v5 =	vadd.s32 $0xFFFFFF10, v3  }
0x190: {  	v6 =	vmov s1;
	v3 =	vnsel vm0, $0x0, v3;
	vm1 =	vlt.u32 v5, $0x50  }
0x191: {  	v7 =	vshll.u32 v3, $0x9;
	v3 =	vshll.u32 v3, $0x7;
	v5 =	vnsel vm1, $0x0, v5  }
0x192: {  	v6 =	vshll.u32 v6, $0x3;
	v7 =	vand.u32 $0xFFFFF000, v7;
	v3 =	vand.u32 $0x380, v3  }
.Ltmp6:
0x193: {  	v3 =	vor.u32 v7, v3;
	v7 =	vshll.u32 v5, $0x9;
	v5 =	vshll.u32 v5, $0x7;
	(pc) =	sbr.rel @p0 .LBB2_14-.Ltmp6, $4  }
0x194: {  	v6 =	vand.u32 $0xC00, v6;
	v7 =	vand.u32 $0xFFFFF000, v7;
	v5 =	vand.u32 $0x380, v5  }
0x195: {  	v8 =	vand.u32 $0x7F, v4;
	v3 =	vor.u32 v6, v3;
	v5 =	vor.u32 v7, v5  }
0x196: {  	v4 =	vor.u32 v8, v3;
	v3 =	vor.u32 v6, v5  }
0x197: {  	v3 =	vor.u32 v8, v3  }
0x198: {  	_ =	sdelay $0x4  }
0x199: {  	[tilespmem:v4+s19+$0x0] =	vst.idx.msk vm0, v0  }
0x19a: {  	[tilespmem:v3+s19+$0x0] =	vst.idx.msk vm1, v2  }
0x19b: {  	[hbm4b:s7+s20] =	stream.strided.scatter [tilespmem:s19], [sflag:$0x1], $0xA000, s21, s20, $0x38;
	[tilespmem:$0x1E200] =	vst v63  }
0x19c: {  	_ =	swait.ge [sflag:s25], $0xA000  }
0x19d: {  	[sflag:s25] =	ssyncset.done $0x0  }
0x19e: {  	s0 =	simm.s32 $0x0;
	[sflag:s25] =	ssyncadd.s32 $0xFFFF6000  }
0x19f: {  	v3 =	vld [tilespmem:s0+$0x0]  }
0x1a0: {  	s29 =	simm.s32 $0x10;
	s30 =	simm.s32 $0x0  }
.LBB2_16:
0x1a1: {  	p0 =	sne.s32 s29, $0x1F0;
	_ =	sdelay $0x1  }
0x1a2: {  	v4 =	vor.u32 s0, v1  }
0x1a3: {  	v5 =	vmov s0;
	s0 =	smov.u32 s29;
	v6 =	vadd.s32 $0xFFFFFFB0, v3;
	v3 =	vadd.s32 $0xFFFFFEC0, v3  }
0x1a4: {  	v5 =	vshll.u32 v5, $0x3;
	vm0 =	vlt.u32 v6, $0x50;
	vm1 =	vlt.u32 v3, $0x50  }
0x1a5: {  	v5 =	vand.u32 $0xC00, v5;
	v6 =	vnsel vm0, $0x0, v6;
	v3 =	vnsel vm1, $0x0, v3  }
0x1a6: {  	v7 =	vshll.u32 v6, $0x9;
	v6 =	vshll.u32 v6, $0x7;
	v8 =	vshll.u32 v3, $0x9  }
0x1a7: {  	v3 =	vshll.u32 v3, $0x7;
	v7 =	vand.u32 $0xFFFFF000, v7;
	v6 =	vand.u32 $0x380, v6  }
0x1a8: {  	v3 =	vand.u32 $0x380, v3;
	v6 =	vor.u32 v7, v6;
	v7 =	vand.u32 $0xFFFFF000, v8  }
0x1a9: {  	v4 =	vand.u32 $0x7F, v4;
	v6 =	vor.u32 v5, v6;
	v3 =	vor.u32 v7, v3  }
0x1aa: {  	v6 =	vor.u32 v4, v6;
	v3 =	vor.u32 v5, v3  }
0x1ab: {  	v3 =	vor.u32 v4, v3;
	_ =	sdelay $0x2  }
.Ltmp7:
0x1ac: {  	(pc) =	sbr.rel @p0 .LBB2_16-.Ltmp7, $4  }
0x1ad: {  	[tilespmem:v6+s22+$0x0] =	vst.idx.msk vm0, v0  }
0x1ae: {  	s30 =	sadd.s32 $0x10, s30;
	[tilespmem:v3+s22+$0x0] =	vst.idx.msk vm1, v2  }
0x1af: {  	v3 =	vld [tilespmem:s30+$0x0]  }
0x1b0: {  	s29 =	sadd.s32 $0x10, s29  }
0x1b1: {  	_ =	sdelay $0x1  }
0x1b2: {  	v4 =	vor.u32 s0, v1  }
0x1b3: {  	v5 =	vmov s0;
	v6 =	vadd.s32 $0xFFFFFFB0, v3;
	v3 =	vadd.s32 $0xFFFFFEC0, v3  }
0x1b4: {  	v5 =	vshll.u32 v5, $0x3;
	vm0 =	vlt.u32 v6, $0x50;
	vm1 =	vlt.u32 v3, $0x50  }
0x1b5: {  	v5 =	vand.u32 $0xC00, v5;
	v6 =	vnsel vm0, $0x0, v6;
	v3 =	vnsel vm1, $0x0, v3  }
0x1b6: {  	v7 =	vshll.u32 v6, $0x9;
	v6 =	vshll.u32 v6, $0x7;
	v8 =	vshll.u32 v3, $0x9  }
0x1b7: {  	v3 =	vshll.u32 v3, $0x7;
	v7 =	vand.u32 $0xFFFFF000, v7;
	v6 =	vand.u32 $0x380, v6  }
0x1b8: {  	v63 =	vand.u32 $0xFFFFF000, v8;
	v3 =	vand.u32 $0x380, v3;
	v6 =	vor.u32 v7, v6  }
0x1b9: {  	v4 =	vand.u32 $0x7F, v4;
	v3 =	vor.u32 v63, v3;
	v6 =	vor.u32 v5, v6  }
0x1ba: {  	v3 =	vor.u32 v5, v3;
	v6 =	vor.u32 v4, v6  }
0x1bb: {  	v3 =	vor.u32 v4, v3;
	_ =	sdelay $0x3  }
0x1bc: {  	[tilespmem:v6+s22+$0x0] =	vst.idx.msk vm0, v0  }
0x1bd: {  	[tilespmem:v3+s22+$0x0] =	vst.idx.msk vm1, v2  }
0x1be: {  	[hbm4b:s8+s20] =	stream.strided.scatter [tilespmem:s22], [sflag:$0x2], $0xA000, s21, s20, $0x38;
	[tilespmem:$0x1E200] =	vst v63  }
0x1bf: {  	_ =	swait.ge [sflag:s26], $0xA000  }
0x1c0: {  	[sflag:s26] =	ssyncset.done $0x0  }
0x1c1: {  	s0 =	simm.s32 $0x0;
	[sflag:s26] =	ssyncadd.s32 $0xFFFF6000  }
0x1c2: {  	v3 =	vld [tilespmem:s0+$0x0]  }
0x1c3: {  	s29 =	simm.s32 $0x10;
	s30 =	simm.s32 $0x0  }
.LBB2_18:
0x1c4: {  	p0 =	sne.s32 s29, $0x1F0;
	_ =	sdelay $0x1  }
0x1c5: {  	v4 =	vor.u32 s0, v1  }
0x1c6: {  	v5 =	vmov s0;
	s0 =	smov.u32 s29;
	v6 =	vadd.s32 $0xFFFFFF60, v3;
	v3 =	vadd.s32 $0xFFFFFE70, v3  }
0x1c7: {  	v5 =	vshll.u32 v5, $0x3;
	vm0 =	vlt.u32 v6, $0x50;
	vm1 =	vlt.u32 v3, $0x50  }
0x1c8: {  	v5 =	vand.u32 $0xC00, v5;
	v6 =	vnsel vm0, $0x0, v6;
	v3 =	vnsel vm1, $0x0, v3  }
0x1c9: {  	v7 =	vshll.u32 v6, $0x9;
	v6 =	vshll.u32 v6, $0x7;
	v8 =	vshll.u32 v3, $0x9  }
0x1ca: {  	v3 =	vshll.u32 v3, $0x7;
	v7 =	vand.u32 $0xFFFFF000, v7;
	v6 =	vand.u32 $0x380, v6  }
0x1cb: {  	v3 =	vand.u32 $0x380, v3;
	v6 =	vor.u32 v7, v6;
	v7 =	vand.u32 $0xFFFFF000, v8  }
0x1cc: {  	v4 =	vand.u32 $0x7F, v4;
	v6 =	vor.u32 v5, v6;
	v3 =	vor.u32 v7, v3  }
0x1cd: {  	v6 =	vor.u32 v4, v6;
	v3 =	vor.u32 v5, v3  }
0x1ce: {  	v3 =	vor.u32 v4, v3;
	_ =	sdelay $0x2  }
.Ltmp8:
0x1cf: {  	(pc) =	sbr.rel @p0 .LBB2_18-.Ltmp8, $4  }
0x1d0: {  	[tilespmem:v6+s23+$0x0] =	vst.idx.msk vm0, v0  }
0x1d1: {  	s30 =	sadd.s32 $0x10, s30;
	[tilespmem:v3+s23+$0x0] =	vst.idx.msk vm1, v2  }
0x1d2: {  	v3 =	vld [tilespmem:s30+$0x0]  }
0x1d3: {  	s29 =	sadd.s32 $0x10, s29  }
0x1d4: {  	_ =	sdelay $0x1  }
0x1d5: {  	v4 =	vor.u32 s0, v1  }
0x1d6: {  	v5 =	vmov s0;
	v6 =	vadd.s32 $0xFFFFFF60, v3;
	v3 =	vadd.s32 $0xFFFFFE70, v3  }
0x1d7: {  	v5 =	vshll.u32 v5, $0x3;
	vm0 =	vlt.u32 v6, $0x50;
	vm1 =	vlt.u32 v3, $0x50  }
0x1d8: {  	v5 =	vand.u32 $0xC00, v5;
	v6 =	vnsel vm0, $0x0, v6;
	v3 =	vnsel vm1, $0x0, v3  }
0x1d9: {  	v7 =	vshll.u32 v6, $0x9;
	v6 =	vshll.u32 v6, $0x7;
	v8 =	vshll.u32 v3, $0x9  }
0x1da: {  	v3 =	vshll.u32 v3, $0x7;
	v7 =	vand.u32 $0xFFFFF000, v7;
	v6 =	vand.u32 $0x380, v6  }
0x1db: {  	v63 =	vand.u32 $0xFFFFF000, v8;
	v3 =	vand.u32 $0x380, v3;
	v6 =	vor.u32 v7, v6  }
0x1dc: {  	v4 =	vand.u32 $0x7F, v4;
	v3 =	vor.u32 v63, v3;
	v6 =	vor.u32 v5, v6  }
0x1dd: {  	v3 =	vor.u32 v5, v3;
	v6 =	vor.u32 v4, v6  }
0x1de: {  	v3 =	vor.u32 v4, v3;
	_ =	sdelay $0x3  }
0x1df: {  	[tilespmem:v6+s23+$0x0] =	vst.idx.msk vm0, v0  }
0x1e0: {  	[tilespmem:v3+s23+$0x0] =	vst.idx.msk vm1, v2  }
0x1e1: {  	[hbm4b:s9+s20] =	stream.strided.scatter [tilespmem:s23], [sflag:$0x3], $0xA000, s21, s20, $0x38;
	[tilespmem:$0x1E200] =	vst v63  }
0x1e2: {  	_ =	swait.ge [sflag:s24], $0xA000  }
0x1e3: {  	[sflag:s24] =	ssyncset.done $0x0  }
0x1e4: {  	s0 =	simm.s32 $0x0;
	[sflag:s24] =	ssyncadd.s32 $0xFFFF6000  }
0x1e5: {  	v3 =	vld [tilespmem:s0+$0x0]  }
0x1e6: {  	s29 =	simm.s32 $0x10;
	s30 =	simm.s32 $0x0  }
.LBB2_20:
0x1e7: {  	p0 =	sne.s32 s29, $0x1F0;
	_ =	sdelay $0x1  }
0x1e8: {  	v4 =	vor.u32 s0, v1  }
0x1e9: {  	v5 =	vmov s0;
	s0 =	smov.u32 s29;
	v6 =	vadd.s32 $0xFFFFFF10, v3;
	v3 =	vadd.s32 $0xFFFFFE20, v3  }
0x1ea: {  	v5 =	vshll.u32 v5, $0x3;
	vm0 =	vlt.u32 v6, $0x50;
	vm1 =	vlt.u32 v3, $0x50  }
0x1eb: {  	v5 =	vand.u32 $0xC00, v5;
	v6 =	vnsel vm0, $0x0, v6;
	v3 =	vnsel vm1, $0x0, v3  }
0x1ec: {  	v7 =	vshll.u32 v6, $0x9;
	v6 =	vshll.u32 v6, $0x7;
	v8 =	vshll.u32 v3, $0x9  }
0x1ed: {  	v3 =	vshll.u32 v3, $0x7;
	v7 =	vand.u32 $0xFFFFF000, v7;
	v6 =	vand.u32 $0x380, v6  }
0x1ee: {  	v3 =	vand.u32 $0x380, v3;
	v6 =	vor.u32 v7, v6;
	v7 =	vand.u32 $0xFFFFF000, v8  }
0x1ef: {  	v4 =	vand.u32 $0x7F, v4;
	v6 =	vor.u32 v5, v6;
	v3 =	vor.u32 v7, v3  }
0x1f0: {  	v6 =	vor.u32 v4, v6;
	v3 =	vor.u32 v5, v3  }
0x1f1: {  	v3 =	vor.u32 v4, v3;
	_ =	sdelay $0x2  }
.Ltmp9:
0x1f2: {  	(pc) =	sbr.rel @p0 .LBB2_20-.Ltmp9, $4  }
0x1f3: {  	[tilespmem:v6+s19+$0x0] =	vst.idx.msk vm0, v0  }
0x1f4: {  	s30 =	sadd.s32 $0x10, s30;
	[tilespmem:v3+s19+$0x0] =	vst.idx.msk vm1, v2  }
0x1f5: {  	v3 =	vld [tilespmem:s30+$0x0]  }
0x1f6: {  	s29 =	sadd.s32 $0x10, s29  }
0x1f7: {  	_ =	sdelay $0x1  }
0x1f8: {  	v4 =	vor.u32 s0, v1  }
0x1f9: {  	v5 =	vmov s0;
	v6 =	vadd.s32 $0xFFFFFF10, v3;
	v3 =	vadd.s32 $0xFFFFFE20, v3  }
0x1fa: {  	v5 =	vshll.u32 v5, $0x3;
	vm0 =	vlt.u32 v6, $0x50;
	vm1 =	vlt.u32 v3, $0x50  }
0x1fb: {  	v5 =	vand.u32 $0xC00, v5;
	v6 =	vnsel vm0, $0x0, v6;
	v3 =	vnsel vm1, $0x0, v3  }
0x1fc: {  	v7 =	vshll.u32 v6, $0x9;
	v6 =	vshll.u32 v6, $0x7;
	v8 =	vshll.u32 v3, $0x9  }
0x1fd: {  	v3 =	vshll.u32 v3, $0x7;
	v7 =	vand.u32 $0xFFFFF000, v7;
	v6 =	vand.u32 $0x380, v6  }
0x1fe: {  	v63 =	vand.u32 $0xFFFFF000, v8;
	v3 =	vand.u32 $0x380, v3;
	v6 =	vor.u32 v7, v6  }
0x1ff: {  	v4 =	vand.u32 $0x7F, v4;
	v3 =	vor.u32 v63, v3;
	v6 =	vor.u32 v5, v6  }
0x200: {  	v3 =	vor.u32 v5, v3;
	v6 =	vor.u32 v4, v6  }
0x201: {  	v3 =	vor.u32 v4, v3;
	_ =	sdelay $0x3  }
0x202: {  	[tilespmem:v6+s19+$0x0] =	vst.idx.msk vm0, v0  }
0x203: {  	[tilespmem:v3+s19+$0x0] =	vst.idx.msk vm1, v2  }
0x204: {  	[hbm4b:s10+s20] =	stream.strided.scatter [tilespmem:s19], [sflag:$0x1], $0xA000, s21, s20, $0x38;
	[tilespmem:$0x1E200] =	vst v63  }
0x205: {  	_ =	swait.ge [sflag:s25], $0xA000  }
0x206: {  	[sflag:s25] =	ssyncset.done $0x0  }
0x207: {  	s0 =	simm.s32 $0x0;
	[sflag:s25] =	ssyncadd.s32 $0xFFFF6000  }
0x208: {  	v3 =	vld [tilespmem:s0+$0x0]  }
0x209: {  	s29 =	simm.s32 $0x10;
	s30 =	simm.s32 $0x0  }
.LBB2_22:
0x20a: {  	p0 =	sne.s32 s29, $0x1F0;
	_ =	sdelay $0x1  }
0x20b: {  	v4 =	vor.u32 s0, v1  }
0x20c: {  	v5 =	vmov s0;
	s0 =	smov.u32 s29;
	v6 =	vadd.s32 $0xFFFFFEC0, v3;
	v3 =	vadd.s32 $0xFFFFFDD0, v3  }
0x20d: {  	v5 =	vshll.u32 v5, $0x3;
	vm0 =	vlt.u32 v6, $0x50;
	vm1 =	vlt.u32 v3, $0x50  }
0x20e: {  	v5 =	vand.u32 $0xC00, v5;
	v6 =	vnsel vm0, $0x0, v6;
	v3 =	vnsel vm1, $0x0, v3  }
0x20f: {  	v7 =	vshll.u32 v6, $0x9;
	v6 =	vshll.u32 v6, $0x7;
	v8 =	vshll.u32 v3, $0x9  }
0x210: {  	v3 =	vshll.u32 v3, $0x7;
	v7 =	vand.u32 $0xFFFFF000, v7;
	v6 =	vand.u32 $0x380, v6  }
0x211: {  	v3 =	vand.u32 $0x380, v3;
	v6 =	vor.u32 v7, v6;
	v7 =	vand.u32 $0xFFFFF000, v8  }
0x212: {  	v4 =	vand.u32 $0x7F, v4;
	v6 =	vor.u32 v5, v6;
	v3 =	vor.u32 v7, v3  }
0x213: {  	v6 =	vor.u32 v4, v6;
	v3 =	vor.u32 v5, v3  }
0x214: {  	v3 =	vor.u32 v4, v3;
	_ =	sdelay $0x2  }
.Ltmp10:
0x215: {  	(pc) =	sbr.rel @p0 .LBB2_22-.Ltmp10, $4  }
0x216: {  	[tilespmem:v6+s22+$0x0] =	vst.idx.msk vm0, v0  }
0x217: {  	s30 =	sadd.s32 $0x10, s30;
	[tilespmem:v3+s22+$0x0] =	vst.idx.msk vm1, v2  }
0x218: {  	v3 =	vld [tilespmem:s30+$0x0]  }
0x219: {  	s29 =	sadd.s32 $0x10, s29  }
0x21a: {  	_ =	sdelay $0x1  }
0x21b: {  	v4 =	vor.u32 s0, v1  }
0x21c: {  	v5 =	vmov s0;
	v6 =	vadd.s32 $0xFFFFFEC0, v3;
	v3 =	vadd.s32 $0xFFFFFDD0, v3  }
0x21d: {  	v5 =	vshll.u32 v5, $0x3;
	vm0 =	vlt.u32 v6, $0x50;
	vm1 =	vlt.u32 v3, $0x50  }
0x21e: {  	v5 =	vand.u32 $0xC00, v5;
	v6 =	vnsel vm0, $0x0, v6;
	v3 =	vnsel vm1, $0x0, v3  }
0x21f: {  	v7 =	vshll.u32 v6, $0x9;
	v6 =	vshll.u32 v6, $0x7;
	v8 =	vshll.u32 v3, $0x9  }
0x220: {  	v3 =	vshll.u32 v3, $0x7;
	v7 =	vand.u32 $0xFFFFF000, v7;
	v6 =	vand.u32 $0x380, v6  }
0x221: {  	v63 =	vand.u32 $0xFFFFF000, v8;
	v3 =	vand.u32 $0x380, v3;
	v6 =	vor.u32 v7, v6  }
0x222: {  	v4 =	vand.u32 $0x7F, v4;
	v3 =	vor.u32 v63, v3;
	v6 =	vor.u32 v5, v6  }
0x223: {  	v3 =	vor.u32 v5, v3;
	v6 =	vor.u32 v4, v6  }
0x224: {  	v3 =	vor.u32 v4, v3;
	_ =	sdelay $0x3  }
0x225: {  	[tilespmem:v6+s22+$0x0] =	vst.idx.msk vm0, v0  }
0x226: {  	[tilespmem:v3+s22+$0x0] =	vst.idx.msk vm1, v2  }
0x227: {  	[hbm4b:s11+s20] =	stream.strided.scatter [tilespmem:s22], [sflag:$0x2], $0xA000, s21, s20, $0x38;
	[tilespmem:$0x1E200] =	vst v63  }
0x228: {  	_ =	swait.ge [sflag:s26], $0xA000  }
0x229: {  	[sflag:s26] =	ssyncset.done $0x0  }
0x22a: {  	s0 =	simm.s32 $0x0;
	[sflag:s26] =	ssyncadd.s32 $0xFFFF6000  }
0x22b: {  	v3 =	vld [tilespmem:s0+$0x0]  }
0x22c: {  	s29 =	simm.s32 $0x10;
	s30 =	simm.s32 $0x0  }
.LBB2_24:
0x22d: {  	p0 =	sne.s32 s29, $0x1F0;
	_ =	sdelay $0x1  }
0x22e: {  	v4 =	vor.u32 s0, v1  }
0x22f: {  	v5 =	vmov s0;
	s0 =	smov.u32 s29;
	v6 =	vadd.s32 $0xFFFFFE70, v3;
	v3 =	vadd.s32 $0xFFFFFD80, v3  }
0x230: {  	v5 =	vshll.u32 v5, $0x3;
	vm0 =	vlt.u32 v6, $0x50;
	vm1 =	vlt.u32 v3, $0x50  }
0x231: {  	v5 =	vand.u32 $0xC00, v5;
	v6 =	vnsel vm0, $0x0, v6;
	v3 =	vnsel vm1, $0x0, v3  }
0x232: {  	v7 =	vshll.u32 v6, $0x9;
	v6 =	vshll.u32 v6, $0x7;
	v8 =	vshll.u32 v3, $0x9  }
0x233: {  	v3 =	vshll.u32 v3, $0x7;
	v7 =	vand.u32 $0xFFFFF000, v7;
	v6 =	vand.u32 $0x380, v6  }
0x234: {  	v3 =	vand.u32 $0x380, v3;
	v6 =	vor.u32 v7, v6;
	v7 =	vand.u32 $0xFFFFF000, v8  }
0x235: {  	v4 =	vand.u32 $0x7F, v4;
	v6 =	vor.u32 v5, v6;
	v3 =	vor.u32 v7, v3  }
0x236: {  	v6 =	vor.u32 v4, v6;
	v3 =	vor.u32 v5, v3  }
0x237: {  	v3 =	vor.u32 v4, v3;
	_ =	sdelay $0x2  }
.Ltmp11:
0x238: {  	(pc) =	sbr.rel @p0 .LBB2_24-.Ltmp11, $4  }
0x239: {  	[tilespmem:v6+s23+$0x0] =	vst.idx.msk vm0, v0  }
0x23a: {  	s30 =	sadd.s32 $0x10, s30;
	[tilespmem:v3+s23+$0x0] =	vst.idx.msk vm1, v2  }
0x23b: {  	v3 =	vld [tilespmem:s30+$0x0]  }
0x23c: {  	s29 =	sadd.s32 $0x10, s29  }
0x23d: {  	_ =	sdelay $0x1  }
0x23e: {  	v4 =	vor.u32 s0, v1  }
0x23f: {  	v5 =	vmov s0;
	v6 =	vadd.s32 $0xFFFFFE70, v3;
	v3 =	vadd.s32 $0xFFFFFD80, v3  }
0x240: {  	v5 =	vshll.u32 v5, $0x3;
	vm0 =	vlt.u32 v6, $0x50;
	vm1 =	vlt.u32 v3, $0x50  }
0x241: {  	v5 =	vand.u32 $0xC00, v5;
	v6 =	vnsel vm0, $0x0, v6;
	v3 =	vnsel vm1, $0x0, v3  }
0x242: {  	v7 =	vshll.u32 v6, $0x9;
	v6 =	vshll.u32 v6, $0x7;
	v8 =	vshll.u32 v3, $0x9  }
0x243: {  	v3 =	vshll.u32 v3, $0x7;
	v7 =	vand.u32 $0xFFFFF000, v7;
	v6 =	vand.u32 $0x380, v6  }
0x244: {  	v63 =	vand.u32 $0xFFFFF000, v8;
	v3 =	vand.u32 $0x380, v3;
	v6 =	vor.u32 v7, v6  }
0x245: {  	v4 =	vand.u32 $0x7F, v4;
	v3 =	vor.u32 v63, v3;
	v6 =	vor.u32 v5, v6  }
0x246: {  	v3 =	vor.u32 v5, v3;
	v6 =	vor.u32 v4, v6  }
0x247: {  	v3 =	vor.u32 v4, v3;
	_ =	sdelay $0x3  }
0x248: {  	[tilespmem:v6+s23+$0x0] =	vst.idx.msk vm0, v0  }
0x249: {  	[tilespmem:v3+s23+$0x0] =	vst.idx.msk vm1, v2  }
0x24a: {  	[hbm4b:s12+s20] =	stream.strided.scatter [tilespmem:s23], [sflag:$0x3], $0xA000, s21, s20, $0x38;
	[tilespmem:$0x1E200] =	vst v63  }
0x24b: {  	_ =	swait.ge [sflag:s24], $0xA000  }
0x24c: {  	[sflag:s24] =	ssyncset.done $0x0  }
0x24d: {  	s0 =	simm.s32 $0x0;
	[sflag:s24] =	ssyncadd.s32 $0xFFFF6000  }
0x24e: {  	v3 =	vld [tilespmem:s0+$0x0]  }
0x24f: {  	s29 =	simm.s32 $0x10;
	s30 =	simm.s32 $0x0  }
.LBB2_26:
0x250: {  	p0 =	sne.s32 s29, $0x1F0;
	_ =	sdelay $0x1  }
0x251: {  	v4 =	vor.u32 s0, v1  }
0x252: {  	v5 =	vmov s0;
	s0 =	smov.u32 s29;
	v6 =	vadd.s32 $0xFFFFFE20, v3;
	v3 =	vadd.s32 $0xFFFFFD30, v3  }
0x253: {  	v5 =	vshll.u32 v5, $0x3;
	vm0 =	vlt.u32 v6, $0x50;
	vm1 =	vlt.u32 v3, $0x50  }
0x254: {  	v5 =	vand.u32 $0xC00, v5;
	v6 =	vnsel vm0, $0x0, v6;
	v3 =	vnsel vm1, $0x0, v3  }
0x255: {  	v7 =	vshll.u32 v6, $0x9;
	v6 =	vshll.u32 v6, $0x7;
	v8 =	vshll.u32 v3, $0x9  }
0x256: {  	v3 =	vshll.u32 v3, $0x7;
	v7 =	vand.u32 $0xFFFFF000, v7;
	v6 =	vand.u32 $0x380, v6  }
0x257: {  	v3 =	vand.u32 $0x380, v3;
	v6 =	vor.u32 v7, v6;
	v7 =	vand.u32 $0xFFFFF000, v8  }
0x258: {  	v4 =	vand.u32 $0x7F, v4;
	v6 =	vor.u32 v5, v6;
	v3 =	vor.u32 v7, v3  }
0x259: {  	v6 =	vor.u32 v4, v6;
	v3 =	vor.u32 v5, v3  }
0x25a: {  	v3 =	vor.u32 v4, v3;
	_ =	sdelay $0x2  }
.Ltmp12:
0x25b: {  	(pc) =	sbr.rel @p0 .LBB2_26-.Ltmp12, $4  }
0x25c: {  	[tilespmem:v6+s19+$0x0] =	vst.idx.msk vm0, v0  }
0x25d: {  	s30 =	sadd.s32 $0x10, s30;
	[tilespmem:v3+s19+$0x0] =	vst.idx.msk vm1, v2  }
0x25e: {  	v3 =	vld [tilespmem:s30+$0x0]  }
0x25f: {  	s29 =	sadd.s32 $0x10, s29  }
0x260: {  	_ =	sdelay $0x1  }
0x261: {  	v4 =	vor.u32 s0, v1  }
0x262: {  	v5 =	vmov s0;
	v6 =	vadd.s32 $0xFFFFFE20, v3;
	v3 =	vadd.s32 $0xFFFFFD30, v3  }
0x263: {  	v5 =	vshll.u32 v5, $0x3;
	vm0 =	vlt.u32 v6, $0x50;
	vm1 =	vlt.u32 v3, $0x50  }
0x264: {  	v5 =	vand.u32 $0xC00, v5;
	v6 =	vnsel vm0, $0x0, v6;
	v3 =	vnsel vm1, $0x0, v3  }
0x265: {  	v7 =	vshll.u32 v6, $0x9;
	v6 =	vshll.u32 v6, $0x7;
	v8 =	vshll.u32 v3, $0x9  }
0x266: {  	v3 =	vshll.u32 v3, $0x7;
	v7 =	vand.u32 $0xFFFFF000, v7;
	v6 =	vand.u32 $0x380, v6  }
0x267: {  	v63 =	vand.u32 $0xFFFFF000, v8;
	v3 =	vand.u32 $0x380, v3;
	v6 =	vor.u32 v7, v6  }
0x268: {  	v4 =	vand.u32 $0x7F, v4;
	v3 =	vor.u32 v63, v3;
	v6 =	vor.u32 v5, v6  }
0x269: {  	v3 =	vor.u32 v5, v3;
	v6 =	vor.u32 v4, v6  }
0x26a: {  	v3 =	vor.u32 v4, v3;
	_ =	sdelay $0x3  }
0x26b: {  	[tilespmem:v6+s19+$0x0] =	vst.idx.msk vm0, v0  }
0x26c: {  	[tilespmem:v3+s19+$0x0] =	vst.idx.msk vm1, v2  }
0x26d: {  	[hbm4b:s13+s20] =	stream.strided.scatter [tilespmem:s19], [sflag:$0x1], $0xA000, s21, s20, $0x38;
	[tilespmem:$0x1E200] =	vst v63  }
0x26e: {  	_ =	swait.ge [sflag:s25], $0xA000  }
0x26f: {  	[sflag:s25] =	ssyncset.done $0x0  }
0x270: {  	s0 =	simm.s32 $0x0;
	[sflag:s25] =	ssyncadd.s32 $0xFFFF6000  }
0x271: {  	v3 =	vld [tilespmem:s0+$0x0]  }
0x272: {  	s29 =	simm.s32 $0x10;
	s30 =	simm.s32 $0x0  }
.LBB2_28:
0x273: {  	p0 =	sne.s32 s29, $0x1F0;
	_ =	sdelay $0x1  }
0x274: {  	v4 =	vor.u32 s0, v1  }
0x275: {  	v5 =	vmov s0;
	s0 =	smov.u32 s29;
	v6 =	vadd.s32 $0xFFFFFDD0, v3;
	v3 =	vadd.s32 $0xFFFFFCE0, v3  }
0x276: {  	v5 =	vshll.u32 v5, $0x3;
	vm0 =	vlt.u32 v6, $0x50;
	vm1 =	vlt.u32 v3, $0x50  }
0x277: {  	v5 =	vand.u32 $0xC00, v5;
	v6 =	vnsel vm0, $0x0, v6;
	v3 =	vnsel vm1, $0x0, v3  }
0x278: {  	v7 =	vshll.u32 v6, $0x9;
	v6 =	vshll.u32 v6, $0x7;
	v8 =	vshll.u32 v3, $0x9  }
0x279: {  	v3 =	vshll.u32 v3, $0x7;
	v7 =	vand.u32 $0xFFFFF000, v7;
	v6 =	vand.u32 $0x380, v6  }
0x27a: {  	v3 =	vand.u32 $0x380, v3;
	v6 =	vor.u32 v7, v6;
	v7 =	vand.u32 $0xFFFFF000, v8  }
0x27b: {  	v4 =	vand.u32 $0x7F, v4;
	v6 =	vor.u32 v5, v6;
	v3 =	vor.u32 v7, v3  }
0x27c: {  	v6 =	vor.u32 v4, v6;
	v3 =	vor.u32 v5, v3  }
0x27d: {  	v3 =	vor.u32 v4, v3;
	_ =	sdelay $0x2  }
.Ltmp13:
0x27e: {  	(pc) =	sbr.rel @p0 .LBB2_28-.Ltmp13, $4  }
0x27f: {  	[tilespmem:v6+s22+$0x0] =	vst.idx.msk vm0, v0  }
0x280: {  	s30 =	sadd.s32 $0x10, s30;
	[tilespmem:v3+s22+$0x0] =	vst.idx.msk vm1, v2  }
0x281: {  	v3 =	vld [tilespmem:s30+$0x0]  }
0x282: {  	s29 =	sadd.s32 $0x10, s29  }
0x283: {  	_ =	sdelay $0x1  }
0x284: {  	v4 =	vor.u32 s0, v1  }
0x285: {  	v5 =	vmov s0;
	v6 =	vadd.s32 $0xFFFFFDD0, v3;
	v3 =	vadd.s32 $0xFFFFFCE0, v3  }
0x286: {  	v5 =	vshll.u32 v5, $0x3;
	vm0 =	vlt.u32 v6, $0x50;
	vm1 =	vlt.u32 v3, $0x50  }
0x287: {  	v5 =	vand.u32 $0xC00, v5;
	v6 =	vnsel vm0, $0x0, v6;
	v3 =	vnsel vm1, $0x0, v3  }
0x288: {  	v7 =	vshll.u32 v6, $0x9;
	v6 =	vshll.u32 v6, $0x7;
	v8 =	vshll.u32 v3, $0x9  }
0x289: {  	v3 =	vshll.u32 v3, $0x7;
	v7 =	vand.u32 $0xFFFFF000, v7;
	v6 =	vand.u32 $0x380, v6  }
0x28a: {  	v63 =	vand.u32 $0xFFFFF000, v8;
	v3 =	vand.u32 $0x380, v3;
	v6 =	vor.u32 v7, v6  }
0x28b: {  	v4 =	vand.u32 $0x7F, v4;
	v3 =	vor.u32 v63, v3;
	v6 =	vor.u32 v5, v6  }
0x28c: {  	v3 =	vor.u32 v5, v3;
	v6 =	vor.u32 v4, v6  }
0x28d: {  	v3 =	vor.u32 v4, v3;
	_ =	sdelay $0x3  }
0x28e: {  	[tilespmem:v6+s22+$0x0] =	vst.idx.msk vm0, v0  }
0x28f: {  	[tilespmem:v3+s22+$0x0] =	vst.idx.msk vm1, v2  }
0x290: {  	[hbm4b:s14+s20] =	stream.strided.scatter [tilespmem:s22], [sflag:$0x2], $0xA000, s21, s20, $0x38;
	[tilespmem:$0x1E200] =	vst v63  }
0x291: {  	_ =	swait.ge [sflag:s26], $0xA000  }
0x292: {  	[sflag:s26] =	ssyncset.done $0x0  }
0x293: {  	s0 =	simm.s32 $0x0;
	[sflag:s26] =	ssyncadd.s32 $0xFFFF6000  }
0x294: {  	v3 =	vld [tilespmem:s0+$0x0]  }
0x295: {  	s29 =	simm.s32 $0x10;
	s30 =	simm.s32 $0x0  }
.LBB2_30:
0x296: {  	p0 =	sne.s32 s29, $0x1F0;
	_ =	sdelay $0x1  }
0x297: {  	v4 =	vor.u32 s0, v1  }
0x298: {  	v5 =	vmov s0;
	s0 =	smov.u32 s29;
	v6 =	vadd.s32 $0xFFFFFD80, v3;
	v3 =	vadd.s32 $0xFFFFFC90, v3  }
0x299: {  	v5 =	vshll.u32 v5, $0x3;
	vm0 =	vlt.u32 v6, $0x50;
	vm1 =	vlt.u32 v3, $0x50  }
0x29a: {  	v5 =	vand.u32 $0xC00, v5;
	v6 =	vnsel vm0, $0x0, v6;
	v3 =	vnsel vm1, $0x0, v3  }
0x29b: {  	v7 =	vshll.u32 v6, $0x9;
	v6 =	vshll.u32 v6, $0x7;
	v8 =	vshll.u32 v3, $0x9  }
0x29c: {  	v3 =	vshll.u32 v3, $0x7;
	v7 =	vand.u32 $0xFFFFF000, v7;
	v6 =	vand.u32 $0x380, v6  }
0x29d: {  	v3 =	vand.u32 $0x380, v3;
	v6 =	vor.u32 v7, v6;
	v7 =	vand.u32 $0xFFFFF000, v8  }
0x29e: {  	v4 =	vand.u32 $0x7F, v4;
	v6 =	vor.u32 v5, v6;
	v3 =	vor.u32 v7, v3  }
0x29f: {  	v6 =	vor.u32 v4, v6;
	v3 =	vor.u32 v5, v3  }
0x2a0: {  	v3 =	vor.u32 v4, v3;
	_ =	sdelay $0x2  }
.Ltmp14:
0x2a1: {  	(pc) =	sbr.rel @p0 .LBB2_30-.Ltmp14, $4  }
0x2a2: {  	[tilespmem:v6+s23+$0x0] =	vst.idx.msk vm0, v0  }
0x2a3: {  	s30 =	sadd.s32 $0x10, s30;
	[tilespmem:v3+s23+$0x0] =	vst.idx.msk vm1, v2  }
0x2a4: {  	v3 =	vld [tilespmem:s30+$0x0]  }
0x2a5: {  	s29 =	sadd.s32 $0x10, s29  }
0x2a6: {  	_ =	sdelay $0x1  }
0x2a7: {  	v4 =	vor.u32 s0, v1  }
0x2a8: {  	v5 =	vmov s0;
	v6 =	vadd.s32 $0xFFFFFD80, v3;
	v3 =	vadd.s32 $0xFFFFFC90, v3  }
0x2a9: {  	v5 =	vshll.u32 v5, $0x3;
	vm0 =	vlt.u32 v6, $0x50;
	vm1 =	vlt.u32 v3, $0x50  }
0x2aa: {  	v5 =	vand.u32 $0xC00, v5;
	v6 =	vnsel vm0, $0x0, v6;
	v3 =	vnsel vm1, $0x0, v3  }
0x2ab: {  	v7 =	vshll.u32 v6, $0x9;
	v6 =	vshll.u32 v6, $0x7;
	v8 =	vshll.u32 v3, $0x9  }
0x2ac: {  	v3 =	vshll.u32 v3, $0x7;
	v7 =	vand.u32 $0xFFFFF000, v7;
	v6 =	vand.u32 $0x380, v6  }
0x2ad: {  	v63 =	vand.u32 $0xFFFFF000, v8;
	v3 =	vand.u32 $0x380, v3;
	v6 =	vor.u32 v7, v6  }
0x2ae: {  	v4 =	vand.u32 $0x7F, v4;
	v3 =	vor.u32 v63, v3;
	v6 =	vor.u32 v5, v6  }
0x2af: {  	v3 =	vor.u32 v5, v3;
	v6 =	vor.u32 v4, v6  }
0x2b0: {  	v3 =	vor.u32 v4, v3;
	_ =	sdelay $0x3  }
0x2b1: {  	[tilespmem:v6+s23+$0x0] =	vst.idx.msk vm0, v0  }
0x2b2: {  	[tilespmem:v3+s23+$0x0] =	vst.idx.msk vm1, v2  }
0x2b3: {  	[hbm4b:s15+s20] =	stream.strided.scatter [tilespmem:s23], [sflag:$0x3], $0xA000, s21, s20, $0x38;
	[tilespmem:$0x1E200] =	vst v63  }
0x2b4: {  	_ =	swait.ge [sflag:s24], $0xA000  }
0x2b5: {  	[sflag:s24] =	ssyncset.done $0x0  }
0x2b6: {  	s0 =	simm.s32 $0x0;
	[sflag:s24] =	ssyncadd.s32 $0xFFFF6000  }
0x2b7: {  	v3 =	vld [tilespmem:s0+$0x0]  }
0x2b8: {  	s29 =	simm.s32 $0x10;
	s30 =	simm.s32 $0x0  }
.LBB2_32:
0x2b9: {  	p0 =	sne.s32 s29, $0x1F0;
	_ =	sdelay $0x1  }
0x2ba: {  	v4 =	vor.u32 s0, v1  }
0x2bb: {  	v5 =	vmov s0;
	s0 =	smov.u32 s29;
	v6 =	vadd.s32 $0xFFFFFD30, v3;
	v3 =	vadd.s32 $0xFFFFFC40, v3  }
0x2bc: {  	v5 =	vshll.u32 v5, $0x3;
	vm0 =	vlt.u32 v6, $0x50;
	vm1 =	vlt.u32 v3, $0x28  }
0x2bd: {  	v5 =	vand.u32 $0xC00, v5;
	v6 =	vnsel vm0, $0x0, v6;
	v3 =	vnsel vm1, $0x0, v3  }
0x2be: {  	v7 =	vshll.u32 v6, $0x9;
	v6 =	vshll.u32 v6, $0x7;
	v8 =	vshll.u32 v3, $0x9  }
0x2bf: {  	v3 =	vshll.u32 v3, $0x7;
	v7 =	vand.u32 $0xFFFFF000, v7;
	v6 =	vand.u32 $0x380, v6  }
0x2c0: {  	v3 =	vand.u32 $0x380, v3;
	v6 =	vor.u32 v7, v6;
	v7 =	vand.u32 $0xFFFFF000, v8  }
0x2c1: {  	v4 =	vand.u32 $0x7F, v4;
	v6 =	vor.u32 v5, v6;
	v3 =	vor.u32 v7, v3  }
0x2c2: {  	v6 =	vor.u32 v4, v6;
	v3 =	vor.u32 v5, v3  }
0x2c3: {  	v3 =	vor.u32 v4, v3;
	_ =	sdelay $0x2  }
.Ltmp15:
0x2c4: {  	(pc) =	sbr.rel @p0 .LBB2_32-.Ltmp15, $4  }
0x2c5: {  	[tilespmem:v6+s19+$0x0] =	vst.idx.msk vm0, v0  }
0x2c6: {  	s30 =	sadd.s32 $0x10, s30;
	[tilespmem:v3+s19+$0x0] =	vst.idx.msk vm1, v2  }
0x2c7: {  	v3 =	vld [tilespmem:s30+$0x0]  }
0x2c8: {  	s29 =	sadd.s32 $0x10, s29  }
0x2c9: {  	_ =	sdelay $0x1  }
0x2ca: {  	v4 =	vor.u32 s0, v1  }
0x2cb: {  	v5 =	vmov s0;
	v6 =	vadd.s32 $0xFFFFFD30, v3;
	v3 =	vadd.s32 $0xFFFFFC40, v3  }
0x2cc: {  	v5 =	vshll.u32 v5, $0x3;
	vm0 =	vlt.u32 v6, $0x50;
	vm1 =	vlt.u32 v3, $0x28  }
0x2cd: {  	v5 =	vand.u32 $0xC00, v5;
	v6 =	vnsel vm0, $0x0, v6;
	v3 =	vnsel vm1, $0x0, v3  }
0x2ce: {  	v7 =	vshll.u32 v6, $0x9;
	v6 =	vshll.u32 v6, $0x7;
	v8 =	vshll.u32 v3, $0x9  }
0x2cf: {  	v3 =	vshll.u32 v3, $0x7;
	v7 =	vand.u32 $0xFFFFF000, v7;
	v6 =	vand.u32 $0x380, v6  }
0x2d0: {  	v63 =	vand.u32 $0xFFFFF000, v8;
	v3 =	vand.u32 $0x380, v3;
	v6 =	vor.u32 v7, v6  }
0x2d1: {  	v4 =	vand.u32 $0x7F, v4;
	v3 =	vor.u32 v63, v3;
	v6 =	vor.u32 v5, v6  }
0x2d2: {  	v3 =	vor.u32 v5, v3;
	v6 =	vor.u32 v4, v6  }
0x2d3: {  	v3 =	vor.u32 v4, v3;
	_ =	sdelay $0x3  }
0x2d4: {  	[tilespmem:v6+s19+$0x0] =	vst.idx.msk vm0, v0  }
0x2d5: {  	[tilespmem:v3+s19+$0x0] =	vst.idx.msk vm1, v2  }
0x2d6: {  	[hbm4b:s16+s20] =	stream.strided.scatter [tilespmem:s19], [sflag:$0x1], $0x5000, s21, s20, $0x38;
	[tilespmem:$0x1E200] =	vst v63  }
0x2d7: {  	_ =	swait.ge [sflag:s24], $0x5000  }
0x2d8: {  	[sflag:s24] =	ssyncset.done $0x0  }
0x2d9: {  	s28 =	sadd.s32 $0x1, s28;
	[sflag:s24] =	ssyncadd.s32 $0xFFFFB000  }
0x2da: {  	p0 =	sne.s32 s28, s17;
	_ =	swait.ge [sflag:s25], $0xA000  }
.Ltmp16:
0x2db: {  	[sflag:s25] =	ssyncset.done $0x0;
	(pc) =	sbr.rel @p0 .LBB2_1-.Ltmp16, $4  }
0x2dc: {  	[sflag:s25] =	ssyncadd.s32 $0xFFFF6000  }
0x2dd: {  	_ =	swait.ge [sflag:s26], $0xA000  }
0x2de: {  	[sflag:s26] =	ssyncset.done $0x0  }
0x2df: {  	[sflag:s26] =	ssyncadd.s32 $0xFFFF6000  }
0x2e0: {  	_ =	sfence.sel $0x180000  }
0x2e1: {  	[bflag:$0x0] =	sbarrier.arrive $0xFFFF  }
0x2e2: {  	_ =	strace $0x90000047  }
0x2e3: {  	s0 =	stileid.u32;
	[bflag:$0x2] =	sbarrier.arrive $0xFFFF  }
0x2e4: {  	p0 =	sne.s32 s0, $0x0;
	s0 =	rddreg [dreg:$0x2]  }
0x2e5: {  	s0 =	sadd.s32 @!p0 $0x100000, s0  }
0x2e6: {  	[sflag:s0] =	ssyncadd.tile.s32 @!p0 $0x1;
	_ =	shalt  }
.Lfunc_end2:
_tile_overlayer_lowered:
.L_overlay_start_2:
0x2e7: {  	(tag) =	ssettag $0x2  }
0x2e8: {  	s0 =	rddreg [dreg:$0x0];
	s2 =	stileid.u32  }
0x2e9: {  	s1 =	rddreg [dreg:$0x1];
	p0 =	sne.s32 s2, $0x0  }
0x2ea: {  	s3 =	rddreg [dreg:$0x2];
	[bflag:$0x3] =	sbarrier.arrive $0xFFFF;
	s2 =	simm.s32 @!p0 $0x1C04  }
0x2eb: {  	[timem:s3], [sflag:s2] =	dma.local @!p0 [hbm:s0], s1  }
0x2ec: {  	s0 =	simm.s32 @!p0 $0x4  }
0x2ed: {  	_ =	swait.ge @!p0 [sflag:s0], s1  }
0x2ee: {  	s1 =	ssub.s32 @!p0 $0x0, s1;
	[sflag:s0] =	ssyncset.done @!p0 $0x0  }
0x2ef: {  	[sflag:s0] =	ssyncadd.s32 @!p0 s1  }
0x2f0: {  	[bflag:$0x3] =	sbarrier.arrive $0xFFFF  }
0x2f1: {  	_ =	shalt  }

</sc_bundles>
